<compile_context>
chip_gen: v7x
topology: tpu7x:2x2x1
jax: 0.10.2.dev20260603
libtpu: 0.0.44.dev20260713+nightly
codegen_flags: <defaults>
</compile_context>

<pallas_src>
import functools

import jax
import jax.numpy as jnp
from jax import lax
from jax.experimental import pallas as pl
from jax.experimental.pallas import tpu as pltpu
from jax.experimental.pallas import tpu_sc as plsc

B = 4
S = 4096
D = 1024
H_POOL = 16
DPH = D // H_POOL
H_VQ = 4
DPH_VQ = D // H_VQ
K = 8192
NROW = H_VQ * B

S_CHUNK = 512
NS = S // S_CHUNK
K_CHUNK = 1024
NK = K // K_CHUNK

_DF = jax.lax.Precision.DEFAULT
_HX = jax.lax.Precision.HIGHEST


def _tc_kernel(enc_ref, wk_ref, bk_ref, wv_ref, bv_ref, cb_ref,
               dists_ref, x_ref,
               m_ref, l_ref, acc_ref, xs_ref):
    i = pl.program_id(0)

    @pl.when(i == 0)
    def _init():
        m_ref[...] = jnp.full((B, H_POOL), -jnp.inf, dtype=jnp.float32)
        l_ref[...] = jnp.zeros((B, H_POOL), dtype=jnp.float32)
        acc_ref[...] = jnp.zeros((B, H_POOL, D), dtype=jnp.float32)

    @pl.when(i < NS)
    def _pool_step():
        e = enc_ref[...]
        e2 = e.reshape(B * S_CHUNK, D)
        s = jax.lax.dot(e2, wk_ref[...],
                        precision=_DF).reshape(B, S_CHUNK, H_POOL)
        s = s + bk_ref[...][None, None, :]

        m_old = m_ref[...]
        m_new = jnp.maximum(m_old, jnp.max(s, axis=1))
        alpha = jnp.exp(m_old - m_new)
        p = jnp.exp(s - m_new[:, None, :])
        l_ref[...] = l_ref[...] * alpha + jnp.sum(p, axis=1)
        pe = jax.lax.dot_general(p, e, (((1,), (1,)), ((0,), (0,))),
                                 precision=_DF)
        acc_ref[...] = acc_ref[...] * alpha[:, :, None] + pe
        m_ref[...] = m_new

        @pl.when(i == NS - 1)
        def _finish_pool():
            pooled_e = acc_ref[...] / l_ref[...][:, :, None]
            wv_r = wv_ref[...].reshape(D, H_POOL, DPH)
            ph = jax.lax.dot_general(pooled_e, wv_r,
                                     (((2,), (0,)), ((1,), (1,))),
                                     precision=_DF)
            pooled = jnp.transpose(ph, (1, 0, 2)).reshape(B, D)
            pooled = pooled + bv_ref[...][None, :]
            xs_ref[...] = pooled
            x_hb = jnp.transpose(pooled.reshape(B, H_VQ, DPH_VQ), (1, 0, 2))
            x_ref[...] = x_hb.reshape(NROW, DPH_VQ)

    @pl.when(i >= NS)
    def _vq_step():
        x_bh = xs_ref[...].reshape(B, H_VQ, DPH_VQ)
        cb = cb_ref[...]
        xnorm = jnp.sum(x_bh * x_bh, axis=2)
        cbnorm = jnp.sum(cb * cb, axis=2)
        cross = jax.lax.dot_general(x_bh, cb, (((2,), (2,)), ((1,), (0,))),
                                    precision=_HX)
        dists = (jnp.transpose(xnorm)[:, :, None] + cbnorm[:, None, :]
                 - 2.0 * cross)
        dists_ref[...] = dists.reshape(NROW, K_CHUNK)


_SC_MESH = plsc.VectorSubcoreMesh(core_axis_name="c", subcore_axis_name="s")
_NCORE = 2
_RPC = NROW // _NCORE


def _sc_tail(dists_hbm, x_hbm, cb_hbm, q_hbm, codes_hbm, lossp_hbm,
             dv, xv, qv, rowv, idxv, kv, lv, sem):
    c = lax.axis_index("c")
    s = lax.axis_index("s")

    @pl.when(s < _RPC)
    def _():
        r = c * _RPC + s
        pltpu.sync_copy(dists_hbm.at[r], dv)

        def body(j, carry):
            vmin, vidx = carry
            v = dv[pl.ds(j * 16, 16)]
            cur = lax.iota(jnp.int32, 16) + j * 16
            better = v < vmin
            return (jnp.where(better, v, vmin),
                    jnp.where(better, cur, vidx))

        vmin0 = jnp.full((16,), jnp.inf, dtype=jnp.float32)
        vidx0 = jnp.zeros((16,), dtype=jnp.int32)
        vmin, vidx = lax.fori_loop(0, K // 16, body, (vmin0, vidx0))
        bv = vmin[0]
        bi = vidx[0]
        for l in range(1, 16):
            v = vmin[l]
            ix = vidx[l]
            take = jnp.logical_or(v < bv,
                                  jnp.logical_and(v == bv, ix < bi))
            bv = jnp.where(take, v, bv)
            bi = jnp.where(take, ix, bi)
        kbest = bi

        idxv[...] = jnp.full((16,), (r // B) * K + kbest, dtype=jnp.int32)
        pltpu.async_copy(cb_hbm.at[idxv], rowv, sem).wait()
        pltpu.sync_copy(x_hbm.at[r], xv)

        acc = jnp.zeros((16,), dtype=jnp.float32)
        for j in range(DPH_VQ // 16):
            qj = rowv[0, pl.ds(j * 16, 16)]
            xj = xv[pl.ds(j * 16, 16)]
            d = qj - xj
            qv[pl.ds(j * 16, 16)] = xj + d
            acc = acc + d * d
        pltpu.sync_copy(qv, q_hbm.at[r])
        kv[...] = jnp.full((16,), kbest, dtype=jnp.int32)
        pltpu.sync_copy(kv, codes_hbm.at[r])
        tot = acc[0]
        for l in range(1, 16):
            tot = tot + acc[l]
        lv[...] = jnp.full((16,), tot, dtype=jnp.float32)
        pltpu.sync_copy(lv, lossp_hbm.at[r])


_sc_tail_call = functools.partial(
    pl.kernel,
    out_type=[
        jax.ShapeDtypeStruct((NROW, DPH_VQ), jnp.float32),
        jax.ShapeDtypeStruct((NROW, 16), jnp.int32),
        jax.ShapeDtypeStruct((NROW, 16), jnp.float32),
    ],
    mesh=_SC_MESH,
    scratch_types=[
        pltpu.VMEM((K,), jnp.float32),
        pltpu.VMEM((DPH_VQ,), jnp.float32),
        pltpu.VMEM((DPH_VQ,), jnp.float32),
        pltpu.VMEM((16, DPH_VQ), jnp.float32),
        pltpu.VMEM((16,), jnp.int32),
        pltpu.VMEM((16,), jnp.int32),
        pltpu.VMEM((16,), jnp.float32),
        pltpu.SemaphoreType.DMA,
    ],
)(_sc_tail)


@jax.jit
def _run(encoding, Wk, bk, Wv, bv, codebooks):
    dists, x_rows = pl.pallas_call(
        _tc_kernel,
        grid=(NS + NK,),
        in_specs=[
            pl.BlockSpec((B, S_CHUNK, D),
                         lambda i: (0, jnp.minimum(i, NS - 1), 0)),
            pl.BlockSpec((D, H_POOL), lambda i: (0, 0)),
            pl.BlockSpec((H_POOL,), lambda i: (0,)),
            pl.BlockSpec((D, D), lambda i: (0, 0)),
            pl.BlockSpec((D,), lambda i: (0,)),
            pl.BlockSpec((H_VQ, K_CHUNK, DPH_VQ),
                         lambda i: (0, jnp.maximum(i - NS, 0), 0)),
        ],
        out_specs=[
            pl.BlockSpec((NROW, K_CHUNK),
                         lambda i: (0, jnp.maximum(i - NS, 0))),
            pl.BlockSpec((NROW, DPH_VQ), lambda i: (0, 0)),
        ],
        out_shape=[
            jax.ShapeDtypeStruct((NROW, K), jnp.float32),
            jax.ShapeDtypeStruct((NROW, DPH_VQ), jnp.float32),
        ],
        scratch_shapes=[
            pltpu.VMEM((B, H_POOL), jnp.float32),
            pltpu.VMEM((B, H_POOL), jnp.float32),
            pltpu.VMEM((B, H_POOL, D), jnp.float32),
            pltpu.VMEM((B, D), jnp.float32),
        ],
    )(encoding, Wk, bk, Wv, bv, codebooks)

    q_rows, codes16, lossp = _sc_tail_call(
        dists, x_rows, codebooks.reshape(H_VQ * K, DPH_VQ))

    quantized = jnp.transpose(q_rows.reshape(H_VQ, B, DPH_VQ),
                              (1, 0, 2)).reshape(B, 1, D)
    codes = jnp.transpose(codes16[:, 0].reshape(H_VQ, B))
    loss = 0.25 * jnp.sum(lossp[:, 0]) / (B * DPH_VQ)
    return quantized, loss, codes


def kernel(encoding, Wk, bk, Wv, bv, codebooks, global_step):
    del global_step
    return _run(encoding, Wk, bk, Wv, bv, codebooks)

# --- scband reference (transcript-rebuilt; emitter-appended) ---
"""Pipeline reference for scband-pooling-bottleneck-5446018531920 (READ-ONLY COPY).

The authoritative reference and input builder live on the scoring server;
editing this copy changes nothing except your own understanding.
"""

import jax, jax.numpy as jnp
import numpy as np

B, S, D = 4, 4096, 1024
H_POOL = 16
H_VQ = 4
K = 8192
DPH_VQ = D // H_VQ

def setup_inputs(seed: int = 0):
    key = jax.random.key(seed)
    ks = jax.random.split(key, 7)
    inp = {}
    inp["encoding"] = jax.random.normal(ks[0], (B, S, D), dtype=jnp.float32)
    inp["Wk"] = jax.random.normal(ks[1], (D, H_POOL), dtype=jnp.float32) * (1.0 / np.sqrt(D))
    inp["bk"] = jnp.zeros((H_POOL,), dtype=jnp.float32)
    inp["Wv"] = jax.random.normal(ks[2], (D, D), dtype=jnp.float32) * (1.0 / np.sqrt(D))
    inp["bv"] = jnp.zeros((D,), dtype=jnp.float32)
    inp["codebooks"] = jax.random.normal(ks[3], (H_VQ, K, DPH_VQ), dtype=jnp.float32)
    inp["global_step"] = 1000
    return inp

def reference(encoding, Wk, bk, Wv, bv, codebooks, global_step):
    # --- MultiHeadedPooling (use_final_linear=False, dropout=0.0) ---
    B_, S_, D_ = encoding.shape
    dph = D_ // H_POOL
    scores = encoding @ Wk + bk                      # [B, S, H_POOL] (one score per head)
    values = encoding @ Wv + bv                      # [B, S, D]
    scores = jnp.transpose(scores, (0, 2, 1))        # [B, H_POOL, S]
    values = jnp.transpose(values.reshape(B_, S_, H_POOL, dph), (0, 2, 1, 3))  # [B, H_POOL, S, dph]
    attn = jax.nn.softmax(scores, axis=-1)           # softmax over sequence
    context = jnp.sum(attn[..., None] * values, axis=-2)  # [B, H_POOL, dph]
    pooled = context.reshape(B_, D_)[:, None, :]     # [B, 1, D] (unsqueeze(1))
    # --- VectorQuantizerMultiHead (hard assignment, commitment loss, straight-through) ---
    flat = pooled.reshape(-1, H_VQ, DPH_VQ)          # [B, H_VQ, DPH_VQ]
    loss = jnp.float32(0.0)
    qs = []
    codes = []
    for h in range(H_VQ):
        x = flat[:, h, :]                            # [B, DPH_VQ]
        cb = codebooks[h]                            # [K, DPH_VQ]
        dists = (jnp.sum(x * x, axis=1, keepdims=True)
                 + jnp.sum(cb * cb, axis=1)[None, :]
                 - 2.0 * (x @ cb.T))                 # [B, K]
        idx = jnp.argmin(dists, axis=1)              # [B]
        q = jnp.take(cb, idx, axis=0)                # [B, DPH_VQ]
        e_latent = jnp.mean((jax.lax.stop_gradient(q) - x) ** 2)
        loss = loss + 0.25 * e_latent                # commitment_cost = 0.25
        qs.append(x + jax.lax.stop_gradient(q - x))  # straight-through
        codes.append(idx)
    quantized = jnp.concatenate(qs, axis=1).reshape(B_, 1, D_)
    vq_codes = jnp.stack(codes, axis=1)              # memory['vq_codes']: [B, H_VQ]
    # returns (encoding_pooled, memory['loss'], memory['vq_codes'])
    return quantized, loss, vq_codes

if __name__ == "__main__":
    import jax
    _d = setup_inputs()
    print(jax.jit(kernel)(*tuple(_d.values())))

</pallas_src>

<mosaic_0001>
#map = affine_map<(d0, d1) -> (0, 0)>
module attributes {stable_mosaic.version = 14 : i64} {
  func.func @_sc_tail(%arg0: i32, %arg1: i32, %arg2: memref<16x8192xf32, #tpu.memory_space<hbm>>, %arg3: memref<16x256xf32, #tpu.memory_space<hbm>>, %arg4: memref<32768x256xf32, #tpu.memory_space<hbm>>, %arg5: memref<16x256xf32, #tpu.memory_space<hbm>>, %arg6: memref<16x16xi32, #tpu.memory_space<hbm>>, %arg7: memref<16x16xf32, #tpu.memory_space<hbm>>, %arg8: memref<8192xf32, #tpu.memory_space<vmem>>, %arg9: memref<256xf32, #tpu.memory_space<vmem>>, %arg10: memref<256xf32, #tpu.memory_space<vmem>>, %arg11: memref<16x256xf32, #tpu.memory_space<vmem>>, %arg12: memref<16xi32, #tpu.memory_space<vmem>>, %arg13: memref<16xi32, #tpu.memory_space<vmem>>, %arg14: memref<16xf32, #tpu.memory_space<vmem>>, %arg15: memref<!tpu.dma_semaphore, #tpu.memory_space<semaphore_mem>>) attributes {dimension_semantics = [#tpu.dimension_semantics<core_parallel>, #tpu.dimension_semantics<subcore_parallel>], iteration_bounds = array<i64: 2, 16>, scalar_prefetch = 0 : i64, scratch_operands = 8 : i64, tpu.core_type = #tpu.core_type<sc_vector_subcore>, window_params = [{transform_indices = #map}, {transform_indices = #map}, {transform_indices = #map}, {transform_indices = #map}, {transform_indices = #map}, {transform_indices = #map}]} {
    %lt3A = arith.constant 8 : i32
    %lt3A_0 = arith.cmpi slt, %arg1, %lt3A : i32
    %convert_element_type3A = arith.extui %lt3A_0 : i1 to i32
    %cond3A = arith.constant 0 : i32
    %cond3A_1 = arith.cmpi ne, %convert_element_type3A, %cond3A : i32
    scf.if %cond3A_1 {
      %mul3A = arith.constant 8 : i32
      %mul3A_2 = arith.muli %arg0, %mul3A : i32
      %add3A = arith.addi %mul3A_2, %arg1 : i32
      "tpu.region"() ({
        %run_scoped3A = tpu.sem_alloc : memref<!tpu.dma_semaphore, #tpu.memory_space<semaphore_mem>>
        %dma_start3A_517 = arith.constant 0 : i32
        %dma_start3A_518 = tpu.memref_slice %arg2[%add3A, %dma_start3A_517] : memref<16x8192xf32, #tpu.memory_space<hbm>> -> memref<1x8192xf32, #tpu.memory_space<hbm>>
        %dma_start3A_519 = tpu.memref_squeeze %dma_start3A_518 : memref<1x8192xf32, #tpu.memory_space<hbm>> -> memref<8192xf32, #tpu.memory_space<hbm>>
        %dma_start3A_520 = arith.constant 0 : i32
        %dma_start3A_521 = tpu.memref_slice %arg2[%add3A, %dma_start3A_520] : memref<16x8192xf32, #tpu.memory_space<hbm>> -> memref<1x8192xf32, #tpu.memory_space<hbm>>
        %dma_start3A_522 = tpu.memref_squeeze %dma_start3A_521 : memref<1x8192xf32, #tpu.memory_space<hbm>> -> memref<8192xf32, #tpu.memory_space<hbm>>
        tpu.enqueue_dma source(%dma_start3A_522 : memref<8192xf32, #tpu.memory_space<hbm>>) target(%arg8 : memref<8192xf32, #tpu.memory_space<vmem>>) target_semaphore(%run_scoped3A : memref<!tpu.dma_semaphore, #tpu.memory_space<semaphore_mem>>)
        %dma_wait3A_523 = arith.constant 0 : i32
        %dma_wait3A_524 = tpu.memref_slice %arg2[%add3A, %dma_wait3A_523] : memref<16x8192xf32, #tpu.memory_space<hbm>> -> memref<1x8192xf32, #tpu.memory_space<hbm>>
        %dma_wait3A_525 = tpu.memref_squeeze %dma_wait3A_524 : memref<1x8192xf32, #tpu.memory_space<hbm>> -> memref<8192xf32, #tpu.memory_space<hbm>>
        %dma_wait3A_526 = arith.constant 0 : i32
        %dma_wait3A_527 = tpu.memref_slice %arg2[%add3A, %dma_wait3A_526] : memref<16x8192xf32, #tpu.memory_space<hbm>> -> memref<1x8192xf32, #tpu.memory_space<hbm>>
        %dma_wait3A_528 = tpu.memref_squeeze %dma_wait3A_527 : memref<1x8192xf32, #tpu.memory_space<hbm>> -> memref<8192xf32, #tpu.memory_space<hbm>>
        tpu.wait_dma2 semaphore(%run_scoped3A : memref<!tpu.dma_semaphore, #tpu.memory_space<semaphore_mem>>) src(%dma_wait3A_528 : memref<8192xf32, #tpu.memory_space<hbm>>) dst(%arg8 : memref<8192xf32, #tpu.memory_space<vmem>>)
        tpu.yield
      }) : () -> ()
      %broadcast_in_dim3A = arith.constant 0x7F800000 : f32
      %broadcast_in_dim3A_3 = vector.broadcast %broadcast_in_dim3A : f32 to vector<16xf32>
      %broadcast_in_dim3A_4 = arith.constant 0 : i32
      %broadcast_in_dim3A_5 = vector.broadcast %broadcast_in_dim3A_4 : i32 to vector<16xi32>
      %scan3A = arith.constant 0 : i32
      %scan3A_6 = arith.constant 512 : i32
      %scan3A_7 = arith.addi %scan3A, %scan3A_6 : i32
      %scan3A_8 = arith.constant 1 : i32
      %scan3A_9:2 = scf.for %scan3A_517 = %scan3A to %scan3A_7 step %scan3A_8 iter_args(%scan3A_518 = %broadcast_in_dim3A_3, %scan3A_519 = %broadcast_in_dim3A_5) -> (vector<16xf32>, vector<16xi32>)  : i32 {
        %mul3A_520 = arith.constant 16 : i32
        %mul3A_521 = arith.muli %scan3A_517, %mul3A_520 : i32
        %get3A_522 = arith.index_cast %mul3A_521 : i32 to index
        %get3A_523 = tpu.vector_load %arg8[%get3A_522] {strides = array<i32>} : memref<8192xf32, #tpu.memory_space<vmem>>, vector<16xf32>,
        %get3A_524 = vector.shape_cast %get3A_523 : vector<16xf32> to vector<16xf32>
        %iota3A = tpu.iota {dimensions = array<i32: 0>} : vector<16xi32>
        %mul3A_525 = arith.constant 16 : i32
        %mul3A_526 = arith.muli %scan3A_517, %mul3A_525 : i32
        %add3A_527 = vector.broadcast %mul3A_526 : i32 to vector<16xi32>
        %add3A_528 = arith.addi %iota3A, %add3A_527 : vector<16xi32>
        %lt3A_529 = arith.cmpf olt, %get3A_524, %scan3A_518 : vector<16xf32>
        %select_n3A_530 = arith.select %lt3A_529, %get3A_524, %scan3A_518 : vector<16xi1>, vector<16xf32>
        %select_n3A_531 = arith.select %lt3A_529, %add3A_528, %scan3A_519 : vector<16xi1>, vector<16xi32>
        scf.yield %select_n3A_530, %select_n3A_531 : vector<16xf32>, vector<16xi32>
      }
      %scan3A_10 = arith.constant 512 : i32
      %slice3A = vector.extract_strided_slice %scan3A_9#0 {offsets = [0], sizes = [1], strides = [1]} : vector<16xf32> to vector<1xf32>
      %squeeze3A = vector.extract %slice3A[0] : f32 from vector<1xf32>
      %slice3A_11 = vector.extract_strided_slice %scan3A_9#1 {offsets = [0], sizes = [1], strides = [1]} : vector<16xi32> to vector<1xi32>
      %squeeze3A_12 = vector.extract %slice3A_11[0] : i32 from vector<1xi32>
      %slice3A_13 = vector.extract_strided_slice %scan3A_9#0 {offsets = [1], sizes = [1], strides = [1]} : vector<16xf32> to vector<1xf32>
      %squeeze3A_14 = vector.extract %slice3A_13[0] : f32 from vector<1xf32>
      %slice3A_15 = vector.extract_strided_slice %scan3A_9#1 {offsets = [1], sizes = [1], strides = [1]} : vector<16xi32> to vector<1xi32>
      %squeeze3A_16 = vector.extract %slice3A_15[0] : i32 from vector<1xi32>
      %lt3A_17 = arith.cmpf olt, %squeeze3A_14, %squeeze3A : f32
      %eq3A = arith.cmpf oeq, %squeeze3A_14, %squeeze3A : f32
      %lt3A_18 = arith.cmpi slt, %squeeze3A_16, %squeeze3A_12 : i32
      %and3A = arith.andi %eq3A, %lt3A_18 : i1
      %or3A = arith.ori %lt3A_17, %and3A : i1
      %select_n3A = arith.select %or3A, %squeeze3A_14, %squeeze3A : f32
      %select_n3A_19 = arith.select %or3A, %squeeze3A_16, %squeeze3A_12 : i32
      %slice3A_20 = vector.extract_strided_slice %scan3A_9#0 {offsets = [2], sizes = [1], strides = [1]} : vector<16xf32> to vector<1xf32>
      %squeeze3A_21 = vector.extract %slice3A_20[0] : f32 from vector<1xf32>
      %slice3A_22 = vector.extract_strided_slice %scan3A_9#1 {offsets = [2], sizes = [1], strides = [1]} : vector<16xi32> to vector<1xi32>
      %squeeze3A_23 = vector.extract %slice3A_22[0] : i32 from vector<1xi32>
      %lt3A_24 = arith.cmpf olt, %squeeze3A_21, %select_n3A : f32
      %eq3A_25 = arith.cmpf oeq, %squeeze3A_21, %select_n3A : f32
      %lt3A_26 = arith.cmpi slt, %squeeze3A_23, %select_n3A_19 : i32
      %and3A_27 = arith.andi %eq3A_25, %lt3A_26 : i1
      %or3A_28 = arith.ori %lt3A_24, %and3A_27 : i1
      %select_n3A_29 = arith.select %or3A_28, %squeeze3A_21, %select_n3A : f32
      %select_n3A_30 = arith.select %or3A_28, %squeeze3A_23, %select_n3A_19 : i32
      %slice3A_31 = vector.extract_strided_slice %scan3A_9#0 {offsets = [3], sizes = [1], strides = [1]} : vector<16xf32> to vector<1xf32>
      %squeeze3A_32 = vector.extract %slice3A_31[0] : f32 from vector<1xf32>
      %slice3A_33 = vector.extract_strided_slice %scan3A_9#1 {offsets = [3], sizes = [1], strides = [1]} : vector<16xi32> to vector<1xi32>
      %squeeze3A_34 = vector.extract %slice3A_33[0] : i32 from vector<1xi32>
      %lt3A_35 = arith.cmpf olt, %squeeze3A_32, %select_n3A_29 : f32
      %eq3A_36 = arith.cmpf oeq, %squeeze3A_32, %select_n3A_29 : f32
      %lt3A_37 = arith.cmpi slt, %squeeze3A_34, %select_n3A_30 : i32
      %and3A_38 = arith.andi %eq3A_36, %lt3A_37 : i1
      %or3A_39 = arith.ori %lt3A_35, %and3A_38 : i1
      %select_n3A_40 = arith.select %or3A_39, %squeeze3A_32, %select_n3A_29 : f32
      %select_n3A_41 = arith.select %or3A_39, %squeeze3A_34, %select_n3A_30 : i32
      %slice3A_42 = vector.extract_strided_slice %scan3A_9#0 {offsets = [4], sizes = [1], strides = [1]} : vector<16xf32> to vector<1xf32>
      %squeeze3A_43 = vector.extract %slice3A_42[0] : f32 from vector<1xf32>
      %slice3A_44 = vector.extract_strided_slice %scan3A_9#1 {offsets = [4], sizes = [1], strides = [1]} : vector<16xi32> to vector<1xi32>
      %squeeze3A_45 = vector.extract %slice3A_44[0] : i32 from vector<1xi32>
      %lt3A_46 = arith.cmpf olt, %squeeze3A_43, %select_n3A_40 : f32
      %eq3A_47 = arith.cmpf oeq, %squeeze3A_43, %select_n3A_40 : f32
      %lt3A_48 = arith.cmpi slt, %squeeze3A_45, %select_n3A_41 : i32
      %and3A_49 = arith.andi %eq3A_47, %lt3A_48 : i1
      %or3A_50 = arith.ori %lt3A_46, %and3A_49 : i1
      %select_n3A_51 = arith.select %or3A_50, %squeeze3A_43, %select_n3A_40 : f32
      %select_n3A_52 = arith.select %or3A_50, %squeeze3A_45, %select_n3A_41 : i32
      %slice3A_53 = vector.extract_strided_slice %scan3A_9#0 {offsets = [5], sizes = [1], strides = [1]} : vector<16xf32> to vector<1xf32>
      %squeeze3A_54 = vector.extract %slice3A_53[0] : f32 from vector<1xf32>
      %slice3A_55 = vector.extract_strided_slice %scan3A_9#1 {offsets = [5], sizes = [1], strides = [1]} : vector<16xi32> to vector<1xi32>
      %squeeze3A_56 = vector.extract %slice3A_55[0] : i32 from vector<1xi32>
      %lt3A_57 = arith.cmpf olt, %squeeze3A_54, %select_n3A_51 : f32
      %eq3A_58 = arith.cmpf oeq, %squeeze3A_54, %select_n3A_51 : f32
      %lt3A_59 = arith.cmpi slt, %squeeze3A_56, %select_n3A_52 : i32
      %and3A_60 = arith.andi %eq3A_58, %lt3A_59 : i1
      %or3A_61 = arith.ori %lt3A_57, %and3A_60 : i1
      %select_n3A_62 = arith.select %or3A_61, %squeeze3A_54, %select_n3A_51 : f32
      %select_n3A_63 = arith.select %or3A_61, %squeeze3A_56, %select_n3A_52 : i32
      %slice3A_64 = vector.extract_strided_slice %scan3A_9#0 {offsets = [6], sizes = [1], strides = [1]} : vector<16xf32> to vector<1xf32>
      %squeeze3A_65 = vector.extract %slice3A_64[0] : f32 from vector<1xf32>
      %slice3A_66 = vector.extract_strided_slice %scan3A_9#1 {offsets = [6], sizes = [1], strides = [1]} : vector<16xi32> to vector<1xi32>
      %squeeze3A_67 = vector.extract %slice3A_66[0] : i32 from vector<1xi32>
      %lt3A_68 = arith.cmpf olt, %squeeze3A_65, %select_n3A_62 : f32
      %eq3A_69 = arith.cmpf oeq, %squeeze3A_65, %select_n3A_62 : f32
      %lt3A_70 = arith.cmpi slt, %squeeze3A_67, %select_n3A_63 : i32
      %and3A_71 = arith.andi %eq3A_69, %lt3A_70 : i1
      %or3A_72 = arith.ori %lt3A_68, %and3A_71 : i1
      %select_n3A_73 = arith.select %or3A_72, %squeeze3A_65, %select_n3A_62 : f32
      %select_n3A_74 = arith.select %or3A_72, %squeeze3A_67, %select_n3A_63 : i32
      %slice3A_75 = vector.extract_strided_slice %scan3A_9#0 {offsets = [7], sizes = [1], strides = [1]} : vector<16xf32> to vector<1xf32>
      %squeeze3A_76 = vector.extract %slice3A_75[0] : f32 from vector<1xf32>
      %slice3A_77 = vector.extract_strided_slice %scan3A_9#1 {offsets = [7], sizes = [1], strides = [1]} : vector<16xi32> to vector<1xi32>
      %squeeze3A_78 = vector.extract %slice3A_77[0] : i32 from vector<1xi32>
      %lt3A_79 = arith.cmpf olt, %squeeze3A_76, %select_n3A_73 : f32
      %eq3A_80 = arith.cmpf oeq, %squeeze3A_76, %select_n3A_73 : f32
      %lt3A_81 = arith.cmpi slt, %squeeze3A_78, %select_n3A_74 : i32
      %and3A_82 = arith.andi %eq3A_80, %lt3A_81 : i1
      %or3A_83 = arith.ori %lt3A_79, %and3A_82 : i1
      %select_n3A_84 = arith.select %or3A_83, %squeeze3A_76, %select_n3A_73 : f32
      %select_n3A_85 = arith.select %or3A_83, %squeeze3A_78, %select_n3A_74 : i32
      %slice3A_86 = vector.extract_strided_slice %scan3A_9#0 {offsets = [8], sizes = [1], strides = [1]} : vector<16xf32> to vector<1xf32>
      %squeeze3A_87 = vector.extract %slice3A_86[0] : f32 from vector<1xf32>
      %slice3A_88 = vector.extract_strided_slice %scan3A_9#1 {offsets = [8], sizes = [1], strides = [1]} : vector<16xi32> to vector<1xi32>
      %squeeze3A_89 = vector.extract %slice3A_88[0] : i32 from vector<1xi32>
      %lt3A_90 = arith.cmpf olt, %squeeze3A_87, %select_n3A_84 : f32
      %eq3A_91 = arith.cmpf oeq, %squeeze3A_87, %select_n3A_84 : f32
      %lt3A_92 = arith.cmpi slt, %squeeze3A_89, %select_n3A_85 : i32
      %and3A_93 = arith.andi %eq3A_91, %lt3A_92 : i1
      %or3A_94 = arith.ori %lt3A_90, %and3A_93 : i1
      %select_n3A_95 = arith.select %or3A_94, %squeeze3A_87, %select_n3A_84 : f32
      %select_n3A_96 = arith.select %or3A_94, %squeeze3A_89, %select_n3A_85 : i32
      %slice3A_97 = vector.extract_strided_slice %scan3A_9#0 {offsets = [9], sizes = [1], strides = [1]} : vector<16xf32> to vector<1xf32>
      %squeeze3A_98 = vector.extract %slice3A_97[0] : f32 from vector<1xf32>
      %slice3A_99 = vector.extract_strided_slice %scan3A_9#1 {offsets = [9], sizes = [1], strides = [1]} : vector<16xi32> to vector<1xi32>
      %squeeze3A_100 = vector.extract %slice3A_99[0] : i32 from vector<1xi32>
      %lt3A_101 = arith.cmpf olt, %squeeze3A_98, %select_n3A_95 : f32
      %eq3A_102 = arith.cmpf oeq, %squeeze3A_98, %select_n3A_95 : f32
      %lt3A_103 = arith.cmpi slt, %squeeze3A_100, %select_n3A_96 : i32
      %and3A_104 = arith.andi %eq3A_102, %lt3A_103 : i1
      %or3A_105 = arith.ori %lt3A_101, %and3A_104 : i1
      %select_n3A_106 = arith.select %or3A_105, %squeeze3A_98, %select_n3A_95 : f32
      %select_n3A_107 = arith.select %or3A_105, %squeeze3A_100, %select_n3A_96 : i32
      %slice3A_108 = vector.extract_strided_slice %scan3A_9#0 {offsets = [10], sizes = [1], strides = [1]} : vector<16xf32> to vector<1xf32>
      %squeeze3A_109 = vector.extract %slice3A_108[0] : f32 from vector<1xf32>
      %slice3A_110 = vector.extract_strided_slice %scan3A_9#1 {offsets = [10], sizes = [1], strides = [1]} : vector<16xi32> to vector<1xi32>
      %squeeze3A_111 = vector.extract %slice3A_110[0] : i32 from vector<1xi32>
      %lt3A_112 = arith.cmpf olt, %squeeze3A_109, %select_n3A_106 : f32
      %eq3A_113 = arith.cmpf oeq, %squeeze3A_109, %select_n3A_106 : f32
      %lt3A_114 = arith.cmpi slt, %squeeze3A_111, %select_n3A_107 : i32
      %and3A_115 = arith.andi %eq3A_113, %lt3A_114 : i1
      %or3A_116 = arith.ori %lt3A_112, %and3A_115 : i1
      %select_n3A_117 = arith.select %or3A_116, %squeeze3A_109, %select_n3A_106 : f32
      %select_n3A_118 = arith.select %or3A_116, %squeeze3A_111, %select_n3A_107 : i32
      %slice3A_119 = vector.extract_strided_slice %scan3A_9#0 {offsets = [11], sizes = [1], strides = [1]} : vector<16xf32> to vector<1xf32>
      %squeeze3A_120 = vector.extract %slice3A_119[0] : f32 from vector<1xf32>
      %slice3A_121 = vector.extract_strided_slice %scan3A_9#1 {offsets = [11], sizes = [1], strides = [1]} : vector<16xi32> to vector<1xi32>
      %squeeze3A_122 = vector.extract %slice3A_121[0] : i32 from vector<1xi32>
      %lt3A_123 = arith.cmpf olt, %squeeze3A_120, %select_n3A_117 : f32
      %eq3A_124 = arith.cmpf oeq, %squeeze3A_120, %select_n3A_117 : f32
      %lt3A_125 = arith.cmpi slt, %squeeze3A_122, %select_n3A_118 : i32
      %and3A_126 = arith.andi %eq3A_124, %lt3A_125 : i1
      %or3A_127 = arith.ori %lt3A_123, %and3A_126 : i1
      %select_n3A_128 = arith.select %or3A_127, %squeeze3A_120, %select_n3A_117 : f32
      %select_n3A_129 = arith.select %or3A_127, %squeeze3A_122, %select_n3A_118 : i32
      %slice3A_130 = vector.extract_strided_slice %scan3A_9#0 {offsets = [12], sizes = [1], strides = [1]} : vector<16xf32> to vector<1xf32>
      %squeeze3A_131 = vector.extract %slice3A_130[0] : f32 from vector<1xf32>
      %slice3A_132 = vector.extract_strided_slice %scan3A_9#1 {offsets = [12], sizes = [1], strides = [1]} : vector<16xi32> to vector<1xi32>
      %squeeze3A_133 = vector.extract %slice3A_132[0] : i32 from vector<1xi32>
      %lt3A_134 = arith.cmpf olt, %squeeze3A_131, %select_n3A_128 : f32
      %eq3A_135 = arith.cmpf oeq, %squeeze3A_131, %select_n3A_128 : f32
      %lt3A_136 = arith.cmpi slt, %squeeze3A_133, %select_n3A_129 : i32
      %and3A_137 = arith.andi %eq3A_135, %lt3A_136 : i1
      %or3A_138 = arith.ori %lt3A_134, %and3A_137 : i1
      %select_n3A_139 = arith.select %or3A_138, %squeeze3A_131, %select_n3A_128 : f32
      %select_n3A_140 = arith.select %or3A_138, %squeeze3A_133, %select_n3A_129 : i32
      %slice3A_141 = vector.extract_strided_slice %scan3A_9#0 {offsets = [13], sizes = [1], strides = [1]} : vector<16xf32> to vector<1xf32>
      %squeeze3A_142 = vector.extract %slice3A_141[0] : f32 from vector<1xf32>
      %slice3A_143 = vector.extract_strided_slice %scan3A_9#1 {offsets = [13], sizes = [1], strides = [1]} : vector<16xi32> to vector<1xi32>
      %squeeze3A_144 = vector.extract %slice3A_143[0] : i32 from vector<1xi32>
      %lt3A_145 = arith.cmpf olt, %squeeze3A_142, %select_n3A_139 : f32
      %eq3A_146 = arith.cmpf oeq, %squeeze3A_142, %select_n3A_139 : f32
      %lt3A_147 = arith.cmpi slt, %squeeze3A_144, %select_n3A_140 : i32
      %and3A_148 = arith.andi %eq3A_146, %lt3A_147 : i1
      %or3A_149 = arith.ori %lt3A_145, %and3A_148 : i1
      %select_n3A_150 = arith.select %or3A_149, %squeeze3A_142, %select_n3A_139 : f32
      %select_n3A_151 = arith.select %or3A_149, %squeeze3A_144, %select_n3A_140 : i32
      %slice3A_152 = vector.extract_strided_slice %scan3A_9#0 {offsets = [14], sizes = [1], strides = [1]} : vector<16xf32> to vector<1xf32>
      %squeeze3A_153 = vector.extract %slice3A_152[0] : f32 from vector<1xf32>
      %slice3A_154 = vector.extract_strided_slice %scan3A_9#1 {offsets = [14], sizes = [1], strides = [1]} : vector<16xi32> to vector<1xi32>
      %squeeze3A_155 = vector.extract %slice3A_154[0] : i32 from vector<1xi32>
      %lt3A_156 = arith.cmpf olt, %squeeze3A_153, %select_n3A_150 : f32
      %eq3A_157 = arith.cmpf oeq, %squeeze3A_153, %select_n3A_150 : f32
      %lt3A_158 = arith.cmpi slt, %squeeze3A_155, %select_n3A_151 : i32
      %and3A_159 = arith.andi %eq3A_157, %lt3A_158 : i1
      %or3A_160 = arith.ori %lt3A_156, %and3A_159 : i1
      %select_n3A_161 = arith.select %or3A_160, %squeeze3A_153, %select_n3A_150 : f32
      %select_n3A_162 = arith.select %or3A_160, %squeeze3A_155, %select_n3A_151 : i32
      %slice3A_163 = vector.extract_strided_slice %scan3A_9#0 {offsets = [15], sizes = [1], strides = [1]} : vector<16xf32> to vector<1xf32>
      %squeeze3A_164 = vector.extract %slice3A_163[0] : f32 from vector<1xf32>
      %slice3A_165 = vector.extract_strided_slice %scan3A_9#1 {offsets = [15], sizes = [1], strides = [1]} : vector<16xi32> to vector<1xi32>
      %squeeze3A_166 = vector.extract %slice3A_165[0] : i32 from vector<1xi32>
      %lt3A_167 = arith.cmpf olt, %squeeze3A_164, %select_n3A_161 : f32
      %eq3A_168 = arith.cmpf oeq, %squeeze3A_164, %select_n3A_161 : f32
      %lt3A_169 = arith.cmpi slt, %squeeze3A_166, %select_n3A_162 : i32
      %and3A_170 = arith.andi %eq3A_168, %lt3A_169 : i1
      %or3A_171 = arith.ori %lt3A_167, %and3A_170 : i1
      %select_n3A_172 = arith.select %or3A_171, %squeeze3A_164, %select_n3A_161 : f32
      %select_n3A_173 = arith.select %or3A_171, %squeeze3A_166, %select_n3A_162 : i32
      %jit3A = arith.constant 4 : i32
      %div3A = arith.divsi %add3A, %jit3A : i32
      %sign3A = arith.constant 0 : i32
      %sign3A_174 = arith.cmpi sgt, %add3A, %sign3A : i32
      %sign3A_175 = arith.extui %sign3A_174 : i1 to i32
      %sign3A_176 = arith.constant 0 : i32
      %sign3A_177 = arith.cmpi slt, %add3A, %sign3A_176 : i32
      %sign3A_178 = arith.extui %sign3A_177 : i1 to i32
      %sign3A_179 = arith.subi %sign3A_175, %sign3A_178 : i32
      %sign3A_180 = arith.constant 0 : i32
      %sign3A_181 = arith.cmpi sgt, %jit3A, %sign3A_180 : i32
      %sign3A_182 = arith.extui %sign3A_181 : i1 to i32
      %sign3A_183 = arith.constant 0 : i32
      %sign3A_184 = arith.cmpi slt, %jit3A, %sign3A_183 : i32
      %sign3A_185 = arith.extui %sign3A_184 : i1 to i32
      %sign3A_186 = arith.subi %sign3A_182, %sign3A_185 : i32
      %ne3A = arith.cmpi ne, %sign3A_179, %sign3A_186 : i32
      %rem3A = arith.remsi %add3A, %jit3A : i32
      %ne3A_187 = arith.constant 0 : i32
      %ne3A_188 = arith.cmpi ne, %rem3A, %ne3A_187 : i32
      %and3A_189 = arith.andi %ne3A, %ne3A_188 : i1
      %sub3A = arith.constant 1 : i32
      %sub3A_190 = arith.subi %div3A, %sub3A : i32
      %select_n3A_191 = arith.select %and3A_189, %sub3A_190, %div3A : i32
      %mul3A_192 = arith.constant 8192 : i32
      %mul3A_193 = arith.muli %select_n3A_191, %mul3A_192 : i32
      %add3A_194 = arith.addi %mul3A_193, %select_n3A_173 : i32
      %broadcast_in_dim3A_195 = vector.broadcast %add3A_194 : i32 to vector<16xi32>
      %swap3A = arith.constant 0 : index
      %swap3A_196 = tpu.vector_load %arg12[%swap3A] {strides = array<i32>} : memref<16xi32, #tpu.memory_space<vmem>>, vector<16xi32>,
      %swap3A_197 = vector.shape_cast %swap3A_196 : vector<16xi32> to vector<16xi32>
      %swap3A_198 = vector.shape_cast %broadcast_in_dim3A_195 : vector<16xi32> to vector<16xi32>
      tpu.vector_store %arg12[%swap3A], %swap3A_198 {strides = array<i32>} : memref<16xi32, #tpu.memory_space<vmem>>, vector<16xi32>,
      %dma_start3A = arith.constant 0 : i32
      %dma_start3A_199 = arith.constant 0 : i32
      %dma_start3A_200 = tpu.memref_slice %arg4[%dma_start3A, %dma_start3A_199] : memref<32768x256xf32, #tpu.memory_space<hbm>> -> memref<32768x256xf32, #tpu.memory_space<hbm>>
      tpu.enqueue_indirect_dma source(%dma_start3A_200 : memref<32768x256xf32, #tpu.memory_space<hbm>>) target(%arg11 : memref<16x256xf32, #tpu.memory_space<vmem>>) offsets(%arg12 : memref<16xi32, #tpu.memory_space<vmem>>) semaphore(%arg15 : memref<!tpu.dma_semaphore, #tpu.memory_space<semaphore_mem>>)
      %dma_wait3A = arith.constant 0 : i32
      %dma_wait3A_201 = arith.constant 0 : i32
      %dma_wait3A_202 = tpu.memref_slice %arg4[%dma_wait3A, %dma_wait3A_201] : memref<32768x256xf32, #tpu.memory_space<hbm>> -> memref<32768x256xf32, #tpu.memory_space<hbm>>
      tpu.wait_indirect_dma semaphore(%arg15 : memref<!tpu.dma_semaphore, #tpu.memory_space<semaphore_mem>>) src(%dma_wait3A_202 : memref<32768x256xf32, #tpu.memory_space<hbm>>) dst(%arg11 : memref<16x256xf32, #tpu.memory_space<vmem>>)
      "tpu.region"() ({
        %run_scoped3A = tpu.sem_alloc : memref<!tpu.dma_semaphore, #tpu.memory_space<semaphore_mem>>
        %dma_start3A_517 = arith.constant 0 : i32
        %dma_start3A_518 = tpu.memref_slice %arg3[%add3A, %dma_start3A_517] : memref<16x256xf32, #tpu.memory_space<hbm>> -> memref<1x256xf32, #tpu.memory_space<hbm>>
        %dma_start3A_519 = tpu.memref_squeeze %dma_start3A_518 : memref<1x256xf32, #tpu.memory_space<hbm>> -> memref<256xf32, #tpu.memory_space<hbm>>
        %dma_start3A_520 = arith.constant 0 : i32
        %dma_start3A_521 = tpu.memref_slice %arg3[%add3A, %dma_start3A_520] : memref<16x256xf32, #tpu.memory_space<hbm>> -> memref<1x256xf32, #tpu.memory_space<hbm>>
        %dma_start3A_522 = tpu.memref_squeeze %dma_start3A_521 : memref<1x256xf32, #tpu.memory_space<hbm>> -> memref<256xf32, #tpu.memory_space<hbm>>
        tpu.enqueue_dma source(%dma_start3A_522 : memref<256xf32, #tpu.memory_space<hbm>>) target(%arg9 : memref<256xf32, #tpu.memory_space<vmem>>) target_semaphore(%run_scoped3A : memref<!tpu.dma_semaphore, #tpu.memory_space<semaphore_mem>>)
        %dma_wait3A_523 = arith.constant 0 : i32
        %dma_wait3A_524 = tpu.memref_slice %arg3[%add3A, %dma_wait3A_523] : memref<16x256xf32, #tpu.memory_space<hbm>> -> memref<1x256xf32, #tpu.memory_space<hbm>>
        %dma_wait3A_525 = tpu.memref_squeeze %dma_wait3A_524 : memref<1x256xf32, #tpu.memory_space<hbm>> -> memref<256xf32, #tpu.memory_space<hbm>>
        %dma_wait3A_526 = arith.constant 0 : i32
        %dma_wait3A_527 = tpu.memref_slice %arg3[%add3A, %dma_wait3A_526] : memref<16x256xf32, #tpu.memory_space<hbm>> -> memref<1x256xf32, #tpu.memory_space<hbm>>
        %dma_wait3A_528 = tpu.memref_squeeze %dma_wait3A_527 : memref<1x256xf32, #tpu.memory_space<hbm>> -> memref<256xf32, #tpu.memory_space<hbm>>
        tpu.wait_dma2 semaphore(%run_scoped3A : memref<!tpu.dma_semaphore, #tpu.memory_space<semaphore_mem>>) src(%dma_wait3A_528 : memref<256xf32, #tpu.memory_space<hbm>>) dst(%arg9 : memref<256xf32, #tpu.memory_space<vmem>>)
        tpu.yield
      }) : () -> ()
      %broadcast_in_dim3A_203 = arith.constant 0.000000e+00 : f32
      %broadcast_in_dim3A_204 = vector.broadcast %broadcast_in_dim3A_203 : f32 to vector<16xf32>
      %get3A = arith.constant 0 : i32
      %get3A_205 = arith.index_cast %get3A : i32 to index
      %get3A_206 = arith.constant 0 : index
      %get3A_207 = tpu.vector_load %arg11[%get3A_205, %get3A_206] {strides = array<i32>} : memref<16x256xf32, #tpu.memory_space<vmem>>, vector<1x16xf32>,
      %get3A_208 = vector.shape_cast %get3A_207 : vector<1x16xf32> to vector<16xf32>
      %get3A_209 = arith.constant 0 : index
      %get3A_210 = tpu.vector_load %arg9[%get3A_209] {strides = array<i32>} : memref<256xf32, #tpu.memory_space<vmem>>, vector<16xf32>,
      %get3A_211 = vector.shape_cast %get3A_210 : vector<16xf32> to vector<16xf32>
      %sub3A_212 = arith.subf %get3A_208, %get3A_211 : vector<16xf32>
      %add3A_213 = arith.addf %get3A_211, %sub3A_212 : vector<16xf32>
      %swap3A_214 = arith.constant 0 : index
      %swap3A_215 = tpu.vector_load %arg10[%swap3A_214] {strides = array<i32>} : memref<256xf32, #tpu.memory_space<vmem>>, vector<16xf32>,
      %swap3A_216 = vector.shape_cast %swap3A_215 : vector<16xf32> to vector<16xf32>
      %swap3A_217 = vector.shape_cast %add3A_213 : vector<16xf32> to vector<16xf32>
      tpu.vector_store %arg10[%swap3A_214], %swap3A_217 {strides = array<i32>} : memref<256xf32, #tpu.memory_space<vmem>>, vector<16xf32>,
      %mul3A_218 = arith.mulf %sub3A_212, %sub3A_212 : vector<16xf32>
      %add3A_219 = arith.addf %broadcast_in_dim3A_204, %mul3A_218 : vector<16xf32>
      %get3A_220 = arith.constant 0 : i32
      %get3A_221 = arith.index_cast %get3A_220 : i32 to index
      %get3A_222 = arith.constant 16 : index
      %get3A_223 = tpu.vector_load %arg11[%get3A_221, %get3A_222] {strides = array<i32>} : memref<16x256xf32, #tpu.memory_space<vmem>>, vector<1x16xf32>,
      %get3A_224 = vector.shape_cast %get3A_223 : vector<1x16xf32> to vector<16xf32>
      %get3A_225 = arith.constant 16 : index
      %get3A_226 = tpu.vector_load %arg9[%get3A_225] {strides = array<i32>} : memref<256xf32, #tpu.memory_space<vmem>>, vector<16xf32>,
      %get3A_227 = vector.shape_cast %get3A_226 : vector<16xf32> to vector<16xf32>
      %sub3A_228 = arith.subf %get3A_224, %get3A_227 : vector<16xf32>
      %add3A_229 = arith.addf %get3A_227, %sub3A_228 : vector<16xf32>
      %swap3A_230 = arith.constant 16 : index
      %swap3A_231 = tpu.vector_load %arg10[%swap3A_230] {strides = array<i32>} : memref<256xf32, #tpu.memory_space<vmem>>, vector<16xf32>,
      %swap3A_232 = vector.shape_cast %swap3A_231 : vector<16xf32> to vector<16xf32>
      %swap3A_233 = vector.shape_cast %add3A_229 : vector<16xf32> to vector<16xf32>
      tpu.vector_store %arg10[%swap3A_230], %swap3A_233 {strides = array<i32>} : memref<256xf32, #tpu.memory_space<vmem>>, vector<16xf32>,
      %mul3A_234 = arith.mulf %sub3A_228, %sub3A_228 : vector<16xf32>
      %add3A_235 = arith.addf %add3A_219, %mul3A_234 : vector<16xf32>
      %get3A_236 = arith.constant 0 : i32
      %get3A_237 = arith.index_cast %get3A_236 : i32 to index
      %get3A_238 = arith.constant 32 : index
      %get3A_239 = tpu.vector_load %arg11[%get3A_237, %get3A_238] {strides = array<i32>} : memref<16x256xf32, #tpu.memory_space<vmem>>, vector<1x16xf32>,
      %get3A_240 = vector.shape_cast %get3A_239 : vector<1x16xf32> to vector<16xf32>
      %get3A_241 = arith.constant 32 : index
      %get3A_242 = tpu.vector_load %arg9[%get3A_241] {strides = array<i32>} : memref<256xf32, #tpu.memory_space<vmem>>, vector<16xf32>,
      %get3A_243 = vector.shape_cast %get3A_242 : vector<16xf32> to vector<16xf32>
      %sub3A_244 = arith.subf %get3A_240, %get3A_243 : vector<16xf32>
      %add3A_245 = arith.addf %get3A_243, %sub3A_244 : vector<16xf32>
      %swap3A_246 = arith.constant 32 : index
      %swap3A_247 = tpu.vector_load %arg10[%swap3A_246] {strides = array<i32>} : memref<256xf32, #tpu.memory_space<vmem>>, vector<16xf32>,
      %swap3A_248 = vector.shape_cast %swap3A_247 : vector<16xf32> to vector<16xf32>
      %swap3A_249 = vector.shape_cast %add3A_245 : vector<16xf32> to vector<16xf32>
      tpu.vector_store %arg10[%swap3A_246], %swap3A_249 {strides = array<i32>} : memref<256xf32, #tpu.memory_space<vmem>>, vector<16xf32>,
      %mul3A_250 = arith.mulf %sub3A_244, %sub3A_244 : vector<16xf32>
      %add3A_251 = arith.addf %add3A_235, %mul3A_250 : vector<16xf32>
      %get3A_252 = arith.constant 0 : i32
      %get3A_253 = arith.index_cast %get3A_252 : i32 to index
      %get3A_254 = arith.constant 48 : index
      %get3A_255 = tpu.vector_load %arg11[%get3A_253, %get3A_254] {strides = array<i32>} : memref<16x256xf32, #tpu.memory_space<vmem>>, vector<1x16xf32>,
      %get3A_256 = vector.shape_cast %get3A_255 : vector<1x16xf32> to vector<16xf32>
      %get3A_257 = arith.constant 48 : index
      %get3A_258 = tpu.vector_load %arg9[%get3A_257] {strides = array<i32>} : memref<256xf32, #tpu.memory_space<vmem>>, vector<16xf32>,
      %get3A_259 = vector.shape_cast %get3A_258 : vector<16xf32> to vector<16xf32>
      %sub3A_260 = arith.subf %get3A_256, %get3A_259 : vector<16xf32>
      %add3A_261 = arith.addf %get3A_259, %sub3A_260 : vector<16xf32>
      %swap3A_262 = arith.constant 48 : index
      %swap3A_263 = tpu.vector_load %arg10[%swap3A_262] {strides = array<i32>} : memref<256xf32, #tpu.memory_space<vmem>>, vector<16xf32>,
      %swap3A_264 = vector.shape_cast %swap3A_263 : vector<16xf32> to vector<16xf32>
      %swap3A_265 = vector.shape_cast %add3A_261 : vector<16xf32> to vector<16xf32>
      tpu.vector_store %arg10[%swap3A_262], %swap3A_265 {strides = array<i32>} : memref<256xf32, #tpu.memory_space<vmem>>, vector<16xf32>,
      %mul3A_266 = arith.mulf %sub3A_260, %sub3A_260 : vector<16xf32>
      %add3A_267 = arith.addf %add3A_251, %mul3A_266 : vector<16xf32>
      %get3A_268 = arith.constant 0 : i32
      %get3A_269 = arith.index_cast %get3A_268 : i32 to index
      %get3A_270 = arith.constant 64 : index
      %get3A_271 = tpu.vector_load %arg11[%get3A_269, %get3A_270] {strides = array<i32>} : memref<16x256xf32, #tpu.memory_space<vmem>>, vector<1x16xf32>,
      %get3A_272 = vector.shape_cast %get3A_271 : vector<1x16xf32> to vector<16xf32>
      %get3A_273 = arith.constant 64 : index
      %get3A_274 = tpu.vector_load %arg9[%get3A_273] {strides = array<i32>} : memref<256xf32, #tpu.memory_space<vmem>>, vector<16xf32>,
      %get3A_275 = vector.shape_cast %get3A_274 : vector<16xf32> to vector<16xf32>
      %sub3A_276 = arith.subf %get3A_272, %get3A_275 : vector<16xf32>
      %add3A_277 = arith.addf %get3A_275, %sub3A_276 : vector<16xf32>
      %swap3A_278 = arith.constant 64 : index
      %swap3A_279 = tpu.vector_load %arg10[%swap3A_278] {strides = array<i32>} : memref<256xf32, #tpu.memory_space<vmem>>, vector<16xf32>,
      %swap3A_280 = vector.shape_cast %swap3A_279 : vector<16xf32> to vector<16xf32>
      %swap3A_281 = vector.shape_cast %add3A_277 : vector<16xf32> to vector<16xf32>
      tpu.vector_store %arg10[%swap3A_278], %swap3A_281 {strides = array<i32>} : memref<256xf32, #tpu.memory_space<vmem>>, vector<16xf32>,
      %mul3A_282 = arith.mulf %sub3A_276, %sub3A_276 : vector<16xf32>
      %add3A_283 = arith.addf %add3A_267, %mul3A_282 : vector<16xf32>
      %get3A_284 = arith.constant 0 : i32
      %get3A_285 = arith.index_cast %get3A_284 : i32 to index
      %get3A_286 = arith.constant 80 : index
      %get3A_287 = tpu.vector_load %arg11[%get3A_285, %get3A_286] {strides = array<i32>} : memref<16x256xf32, #tpu.memory_space<vmem>>, vector<1x16xf32>,
      %get3A_288 = vector.shape_cast %get3A_287 : vector<1x16xf32> to vector<16xf32>
      %get3A_289 = arith.constant 80 : index
      %get3A_290 = tpu.vector_load %arg9[%get3A_289] {strides = array<i32>} : memref<256xf32, #tpu.memory_space<vmem>>, vector<16xf32>,
      %get3A_291 = vector.shape_cast %get3A_290 : vector<16xf32> to vector<16xf32>
      %sub3A_292 = arith.subf %get3A_288, %get3A_291 : vector<16xf32>
      %add3A_293 = arith.addf %get3A_291, %sub3A_292 : vector<16xf32>
      %swap3A_294 = arith.constant 80 : index
      %swap3A_295 = tpu.vector_load %arg10[%swap3A_294] {strides = array<i32>} : memref<256xf32, #tpu.memory_space<vmem>>, vector<16xf32>,
      %swap3A_296 = vector.shape_cast %swap3A_295 : vector<16xf32> to vector<16xf32>
      %swap3A_297 = vector.shape_cast %add3A_293 : vector<16xf32> to vector<16xf32>
      tpu.vector_store %arg10[%swap3A_294], %swap3A_297 {strides = array<i32>} : memref<256xf32, #tpu.memory_space<vmem>>, vector<16xf32>,
      %mul3A_298 = arith.mulf %sub3A_292, %sub3A_292 : vector<16xf32>
      %add3A_299 = arith.addf %add3A_283, %mul3A_298 : vector<16xf32>
      %get3A_300 = arith.constant 0 : i32
      %get3A_301 = arith.index_cast %get3A_300 : i32 to index
      %get3A_302 = arith.constant 96 : index
      %get3A_303 = tpu.vector_load %arg11[%get3A_301, %get3A_302] {strides = array<i32>} : memref<16x256xf32, #tpu.memory_space<vmem>>, vector<1x16xf32>,
      %get3A_304 = vector.shape_cast %get3A_303 : vector<1x16xf32> to vector<16xf32>
      %get3A_305 = arith.constant 96 : index
      %get3A_306 = tpu.vector_load %arg9[%get3A_305] {strides = array<i32>} : memref<256xf32, #tpu.memory_space<vmem>>, vector<16xf32>,
      %get3A_307 = vector.shape_cast %get3A_306 : vector<16xf32> to vector<16xf32>
      %sub3A_308 = arith.subf %get3A_304, %get3A_307 : vector<16xf32>
      %add3A_309 = arith.addf %get3A_307, %sub3A_308 : vector<16xf32>
      %swap3A_310 = arith.constant 96 : index
      %swap3A_311 = tpu.vector_load %arg10[%swap3A_310] {strides = array<i32>} : memref<256xf32, #tpu.memory_space<vmem>>, vector<16xf32>,
      %swap3A_312 = vector.shape_cast %swap3A_311 : vector<16xf32> to vector<16xf32>
      %swap3A_313 = vector.shape_cast %add3A_309 : vector<16xf32> to vector<16xf32>
      tpu.vector_store %arg10[%swap3A_310], %swap3A_313 {strides = array<i32>} : memref<256xf32, #tpu.memory_space<vmem>>, vector<16xf32>,
      %mul3A_314 = arith.mulf %sub3A_308, %sub3A_308 : vector<16xf32>
      %add3A_315 = arith.addf %add3A_299, %mul3A_314 : vector<16xf32>
      %get3A_316 = arith.constant 0 : i32
      %get3A_317 = arith.index_cast %get3A_316 : i32 to index
      %get3A_318 = arith.constant 112 : index
      %get3A_319 = tpu.vector_load %arg11[%get3A_317, %get3A_318] {strides = array<i32>} : memref<16x256xf32, #tpu.memory_space<vmem>>, vector<1x16xf32>,
      %get3A_320 = vector.shape_cast %get3A_319 : vector<1x16xf32> to vector<16xf32>
      %get3A_321 = arith.constant 112 : index
      %get3A_322 = tpu.vector_load %arg9[%get3A_321] {strides = array<i32>} : memref<256xf32, #tpu.memory_space<vmem>>, vector<16xf32>,
      %get3A_323 = vector.shape_cast %get3A_322 : vector<16xf32> to vector<16xf32>
      %sub3A_324 = arith.subf %get3A_320, %get3A_323 : vector<16xf32>
      %add3A_325 = arith.addf %get3A_323, %sub3A_324 : vector<16xf32>
      %swap3A_326 = arith.constant 112 : index
      %swap3A_327 = tpu.vector_load %arg10[%swap3A_326] {strides = array<i32>} : memref<256xf32, #tpu.memory_space<vmem>>, vector<16xf32>,
      %swap3A_328 = vector.shape_cast %swap3A_327 : vector<16xf32> to vector<16xf32>
      %swap3A_329 = vector.shape_cast %add3A_325 : vector<16xf32> to vector<16xf32>
      tpu.vector_store %arg10[%swap3A_326], %swap3A_329 {strides = array<i32>} : memref<256xf32, #tpu.memory_space<vmem>>, vector<16xf32>,
      %mul3A_330 = arith.mulf %sub3A_324, %sub3A_324 : vector<16xf32>
      %add3A_331 = arith.addf %add3A_315, %mul3A_330 : vector<16xf32>
      %get3A_332 = arith.constant 0 : i32
      %get3A_333 = arith.index_cast %get3A_332 : i32 to index
      %get3A_334 = arith.constant 128 : index
      %get3A_335 = tpu.vector_load %arg11[%get3A_333, %get3A_334] {strides = array<i32>} : memref<16x256xf32, #tpu.memory_space<vmem>>, vector<1x16xf32>,
      %get3A_336 = vector.shape_cast %get3A_335 : vector<1x16xf32> to vector<16xf32>
      %get3A_337 = arith.constant 128 : index
      %get3A_338 = tpu.vector_load %arg9[%get3A_337] {strides = array<i32>} : memref<256xf32, #tpu.memory_space<vmem>>, vector<16xf32>,
      %get3A_339 = vector.shape_cast %get3A_338 : vector<16xf32> to vector<16xf32>
      %sub3A_340 = arith.subf %get3A_336, %get3A_339 : vector<16xf32>
      %add3A_341 = arith.addf %get3A_339, %sub3A_340 : vector<16xf32>
      %swap3A_342 = arith.constant 128 : index
      %swap3A_343 = tpu.vector_load %arg10[%swap3A_342] {strides = array<i32>} : memref<256xf32, #tpu.memory_space<vmem>>, vector<16xf32>,
      %swap3A_344 = vector.shape_cast %swap3A_343 : vector<16xf32> to vector<16xf32>
      %swap3A_345 = vector.shape_cast %add3A_341 : vector<16xf32> to vector<16xf32>
      tpu.vector_store %arg10[%swap3A_342], %swap3A_345 {strides = array<i32>} : memref<256xf32, #tpu.memory_space<vmem>>, vector<16xf32>,
      %mul3A_346 = arith.mulf %sub3A_340, %sub3A_340 : vector<16xf32>
      %add3A_347 = arith.addf %add3A_331, %mul3A_346 : vector<16xf32>
      %get3A_348 = arith.constant 0 : i32
      %get3A_349 = arith.index_cast %get3A_348 : i32 to index
      %get3A_350 = arith.constant 144 : index
      %get3A_351 = tpu.vector_load %arg11[%get3A_349, %get3A_350] {strides = array<i32>} : memref<16x256xf32, #tpu.memory_space<vmem>>, vector<1x16xf32>,
      %get3A_352 = vector.shape_cast %get3A_351 : vector<1x16xf32> to vector<16xf32>
      %get3A_353 = arith.constant 144 : index
      %get3A_354 = tpu.vector_load %arg9[%get3A_353] {strides = array<i32>} : memref<256xf32, #tpu.memory_space<vmem>>, vector<16xf32>,
      %get3A_355 = vector.shape_cast %get3A_354 : vector<16xf32> to vector<16xf32>
      %sub3A_356 = arith.subf %get3A_352, %get3A_355 : vector<16xf32>
      %add3A_357 = arith.addf %get3A_355, %sub3A_356 : vector<16xf32>
      %swap3A_358 = arith.constant 144 : index
      %swap3A_359 = tpu.vector_load %arg10[%swap3A_358] {strides = array<i32>} : memref<256xf32, #tpu.memory_space<vmem>>, vector<16xf32>,
      %swap3A_360 = vector.shape_cast %swap3A_359 : vector<16xf32> to vector<16xf32>
      %swap3A_361 = vector.shape_cast %add3A_357 : vector<16xf32> to vector<16xf32>
      tpu.vector_store %arg10[%swap3A_358], %swap3A_361 {strides = array<i32>} : memref<256xf32, #tpu.memory_space<vmem>>, vector<16xf32>,
      %mul3A_362 = arith.mulf %sub3A_356, %sub3A_356 : vector<16xf32>
      %add3A_363 = arith.addf %add3A_347, %mul3A_362 : vector<16xf32>
      %get3A_364 = arith.constant 0 : i32
      %get3A_365 = arith.index_cast %get3A_364 : i32 to index
      %get3A_366 = arith.constant 160 : index
      %get3A_367 = tpu.vector_load %arg11[%get3A_365, %get3A_366] {strides = array<i32>} : memref<16x256xf32, #tpu.memory_space<vmem>>, vector<1x16xf32>,
      %get3A_368 = vector.shape_cast %get3A_367 : vector<1x16xf32> to vector<16xf32>
      %get3A_369 = arith.constant 160 : index
      %get3A_370 = tpu.vector_load %arg9[%get3A_369] {strides = array<i32>} : memref<256xf32, #tpu.memory_space<vmem>>, vector<16xf32>,
      %get3A_371 = vector.shape_cast %get3A_370 : vector<16xf32> to vector<16xf32>
      %sub3A_372 = arith.subf %get3A_368, %get3A_371 : vector<16xf32>
      %add3A_373 = arith.addf %get3A_371, %sub3A_372 : vector<16xf32>
      %swap3A_374 = arith.constant 160 : index
      %swap3A_375 = tpu.vector_load %arg10[%swap3A_374] {strides = array<i32>} : memref<256xf32, #tpu.memory_space<vmem>>, vector<16xf32>,
      %swap3A_376 = vector.shape_cast %swap3A_375 : vector<16xf32> to vector<16xf32>
      %swap3A_377 = vector.shape_cast %add3A_373 : vector<16xf32> to vector<16xf32>
      tpu.vector_store %arg10[%swap3A_374], %swap3A_377 {strides = array<i32>} : memref<256xf32, #tpu.memory_space<vmem>>, vector<16xf32>,
      %mul3A_378 = arith.mulf %sub3A_372, %sub3A_372 : vector<16xf32>
      %add3A_379 = arith.addf %add3A_363, %mul3A_378 : vector<16xf32>
      %get3A_380 = arith.constant 0 : i32
      %get3A_381 = arith.index_cast %get3A_380 : i32 to index
      %get3A_382 = arith.constant 176 : index
      %get3A_383 = tpu.vector_load %arg11[%get3A_381, %get3A_382] {strides = array<i32>} : memref<16x256xf32, #tpu.memory_space<vmem>>, vector<1x16xf32>,
      %get3A_384 = vector.shape_cast %get3A_383 : vector<1x16xf32> to vector<16xf32>
      %get3A_385 = arith.constant 176 : index
      %get3A_386 = tpu.vector_load %arg9[%get3A_385] {strides = array<i32>} : memref<256xf32, #tpu.memory_space<vmem>>, vector<16xf32>,
      %get3A_387 = vector.shape_cast %get3A_386 : vector<16xf32> to vector<16xf32>
      %sub3A_388 = arith.subf %get3A_384, %get3A_387 : vector<16xf32>
      %add3A_389 = arith.addf %get3A_387, %sub3A_388 : vector<16xf32>
      %swap3A_390 = arith.constant 176 : index
      %swap3A_391 = tpu.vector_load %arg10[%swap3A_390] {strides = array<i32>} : memref<256xf32, #tpu.memory_space<vmem>>, vector<16xf32>,
      %swap3A_392 = vector.shape_cast %swap3A_391 : vector<16xf32> to vector<16xf32>
      %swap3A_393 = vector.shape_cast %add3A_389 : vector<16xf32> to vector<16xf32>
      tpu.vector_store %arg10[%swap3A_390], %swap3A_393 {strides = array<i32>} : memref<256xf32, #tpu.memory_space<vmem>>, vector<16xf32>,
      %mul3A_394 = arith.mulf %sub3A_388, %sub3A_388 : vector<16xf32>
      %add3A_395 = arith.addf %add3A_379, %mul3A_394 : vector<16xf32>
      %get3A_396 = arith.constant 0 : i32
      %get3A_397 = arith.index_cast %get3A_396 : i32 to index
      %get3A_398 = arith.constant 192 : index
      %get3A_399 = tpu.vector_load %arg11[%get3A_397, %get3A_398] {strides = array<i32>} : memref<16x256xf32, #tpu.memory_space<vmem>>, vector<1x16xf32>,
      %get3A_400 = vector.shape_cast %get3A_399 : vector<1x16xf32> to vector<16xf32>
      %get3A_401 = arith.constant 192 : index
      %get3A_402 = tpu.vector_load %arg9[%get3A_401] {strides = array<i32>} : memref<256xf32, #tpu.memory_space<vmem>>, vector<16xf32>,
      %get3A_403 = vector.shape_cast %get3A_402 : vector<16xf32> to vector<16xf32>
      %sub3A_404 = arith.subf %get3A_400, %get3A_403 : vector<16xf32>
      %add3A_405 = arith.addf %get3A_403, %sub3A_404 : vector<16xf32>
      %swap3A_406 = arith.constant 192 : index
      %swap3A_407 = tpu.vector_load %arg10[%swap3A_406] {strides = array<i32>} : memref<256xf32, #tpu.memory_space<vmem>>, vector<16xf32>,
      %swap3A_408 = vector.shape_cast %swap3A_407 : vector<16xf32> to vector<16xf32>
      %swap3A_409 = vector.shape_cast %add3A_405 : vector<16xf32> to vector<16xf32>
      tpu.vector_store %arg10[%swap3A_406], %swap3A_409 {strides = array<i32>} : memref<256xf32, #tpu.memory_space<vmem>>, vector<16xf32>,
      %mul3A_410 = arith.mulf %sub3A_404, %sub3A_404 : vector<16xf32>
      %add3A_411 = arith.addf %add3A_395, %mul3A_410 : vector<16xf32>
      %get3A_412 = arith.constant 0 : i32
      %get3A_413 = arith.index_cast %get3A_412 : i32 to index
      %get3A_414 = arith.constant 208 : index
      %get3A_415 = tpu.vector_load %arg11[%get3A_413, %get3A_414] {strides = array<i32>} : memref<16x256xf32, #tpu.memory_space<vmem>>, vector<1x16xf32>,
      %get3A_416 = vector.shape_cast %get3A_415 : vector<1x16xf32> to vector<16xf32>
      %get3A_417 = arith.constant 208 : index
      %get3A_418 = tpu.vector_load %arg9[%get3A_417] {strides = array<i32>} : memref<256xf32, #tpu.memory_space<vmem>>, vector<16xf32>,
      %get3A_419 = vector.shape_cast %get3A_418 : vector<16xf32> to vector<16xf32>
      %sub3A_420 = arith.subf %get3A_416, %get3A_419 : vector<16xf32>
      %add3A_421 = arith.addf %get3A_419, %sub3A_420 : vector<16xf32>
      %swap3A_422 = arith.constant 208 : index
      %swap3A_423 = tpu.vector_load %arg10[%swap3A_422] {strides = array<i32>} : memref<256xf32, #tpu.memory_space<vmem>>, vector<16xf32>,
      %swap3A_424 = vector.shape_cast %swap3A_423 : vector<16xf32> to vector<16xf32>
      %swap3A_425 = vector.shape_cast %add3A_421 : vector<16xf32> to vector<16xf32>
      tpu.vector_store %arg10[%swap3A_422], %swap3A_425 {strides = array<i32>} : memref<256xf32, #tpu.memory_space<vmem>>, vector<16xf32>,
      %mul3A_426 = arith.mulf %sub3A_420, %sub3A_420 : vector<16xf32>
      %add3A_427 = arith.addf %add3A_411, %mul3A_426 : vector<16xf32>
      %get3A_428 = arith.constant 0 : i32
      %get3A_429 = arith.index_cast %get3A_428 : i32 to index
      %get3A_430 = arith.constant 224 : index
      %get3A_431 = tpu.vector_load %arg11[%get3A_429, %get3A_430] {strides = array<i32>} : memref<16x256xf32, #tpu.memory_space<vmem>>, vector<1x16xf32>,
      %get3A_432 = vector.shape_cast %get3A_431 : vector<1x16xf32> to vector<16xf32>
      %get3A_433 = arith.constant 224 : index
      %get3A_434 = tpu.vector_load %arg9[%get3A_433] {strides = array<i32>} : memref<256xf32, #tpu.memory_space<vmem>>, vector<16xf32>,
      %get3A_435 = vector.shape_cast %get3A_434 : vector<16xf32> to vector<16xf32>
      %sub3A_436 = arith.subf %get3A_432, %get3A_435 : vector<16xf32>
      %add3A_437 = arith.addf %get3A_435, %sub3A_436 : vector<16xf32>
      %swap3A_438 = arith.constant 224 : index
      %swap3A_439 = tpu.vector_load %arg10[%swap3A_438] {strides = array<i32>} : memref<256xf32, #tpu.memory_space<vmem>>, vector<16xf32>,
      %swap3A_440 = vector.shape_cast %swap3A_439 : vector<16xf32> to vector<16xf32>
      %swap3A_441 = vector.shape_cast %add3A_437 : vector<16xf32> to vector<16xf32>
      tpu.vector_store %arg10[%swap3A_438], %swap3A_441 {strides = array<i32>} : memref<256xf32, #tpu.memory_space<vmem>>, vector<16xf32>,
      %mul3A_442 = arith.mulf %sub3A_436, %sub3A_436 : vector<16xf32>
      %add3A_443 = arith.addf %add3A_427, %mul3A_442 : vector<16xf32>
      %get3A_444 = arith.constant 0 : i32
      %get3A_445 = arith.index_cast %get3A_444 : i32 to index
      %get3A_446 = arith.constant 240 : index
      %get3A_447 = tpu.vector_load %arg11[%get3A_445, %get3A_446] {strides = array<i32>} : memref<16x256xf32, #tpu.memory_space<vmem>>, vector<1x16xf32>,
      %get3A_448 = vector.shape_cast %get3A_447 : vector<1x16xf32> to vector<16xf32>
      %get3A_449 = arith.constant 240 : index
      %get3A_450 = tpu.vector_load %arg9[%get3A_449] {strides = array<i32>} : memref<256xf32, #tpu.memory_space<vmem>>, vector<16xf32>,
      %get3A_451 = vector.shape_cast %get3A_450 : vector<16xf32> to vector<16xf32>
      %sub3A_452 = arith.subf %get3A_448, %get3A_451 : vector<16xf32>
      %add3A_453 = arith.addf %get3A_451, %sub3A_452 : vector<16xf32>
      %swap3A_454 = arith.constant 240 : index
      %swap3A_455 = tpu.vector_load %arg10[%swap3A_454] {strides = array<i32>} : memref<256xf32, #tpu.memory_space<vmem>>, vector<16xf32>,
      %swap3A_456 = vector.shape_cast %swap3A_455 : vector<16xf32> to vector<16xf32>
      %swap3A_457 = vector.shape_cast %add3A_453 : vector<16xf32> to vector<16xf32>
      tpu.vector_store %arg10[%swap3A_454], %swap3A_457 {strides = array<i32>} : memref<256xf32, #tpu.memory_space<vmem>>, vector<16xf32>,
      %mul3A_458 = arith.mulf %sub3A_452, %sub3A_452 : vector<16xf32>
      %add3A_459 = arith.addf %add3A_443, %mul3A_458 : vector<16xf32>
      "tpu.region"() ({
        %run_scoped3A = tpu.sem_alloc : memref<!tpu.dma_semaphore, #tpu.memory_space<semaphore_mem>>
        %dma_start3A_517 = arith.constant 0 : i32
        %dma_start3A_518 = tpu.memref_slice %arg5[%add3A, %dma_start3A_517] : memref<16x256xf32, #tpu.memory_space<hbm>> -> memref<1x256xf32, #tpu.memory_space<hbm>>
        %dma_start3A_519 = tpu.memref_squeeze %dma_start3A_518 : memref<1x256xf32, #tpu.memory_space<hbm>> -> memref<256xf32, #tpu.memory_space<hbm>>
        %dma_start3A_520 = arith.constant 0 : i32
        %dma_start3A_521 = tpu.memref_slice %arg5[%add3A, %dma_start3A_520] : memref<16x256xf32, #tpu.memory_space<hbm>> -> memref<1x256xf32, #tpu.memory_space<hbm>>
        %dma_start3A_522 = tpu.memref_squeeze %dma_start3A_521 : memref<1x256xf32, #tpu.memory_space<hbm>> -> memref<256xf32, #tpu.memory_space<hbm>>
        tpu.enqueue_dma source(%arg10 : memref<256xf32, #tpu.memory_space<vmem>>) target(%dma_start3A_522 : memref<256xf32, #tpu.memory_space<hbm>>) target_semaphore(%run_scoped3A : memref<!tpu.dma_semaphore, #tpu.memory_space<semaphore_mem>>)
        %dma_wait3A_523 = arith.constant 0 : i32
        %dma_wait3A_524 = tpu.memref_slice %arg5[%add3A, %dma_wait3A_523] : memref<16x256xf32, #tpu.memory_space<hbm>> -> memref<1x256xf32, #tpu.memory_space<hbm>>
        %dma_wait3A_525 = tpu.memref_squeeze %dma_wait3A_524 : memref<1x256xf32, #tpu.memory_space<hbm>> -> memref<256xf32, #tpu.memory_space<hbm>>
        %dma_wait3A_526 = arith.constant 0 : i32
        %dma_wait3A_527 = tpu.memref_slice %arg5[%add3A, %dma_wait3A_526] : memref<16x256xf32, #tpu.memory_space<hbm>> -> memref<1x256xf32, #tpu.memory_space<hbm>>
        %dma_wait3A_528 = tpu.memref_squeeze %dma_wait3A_527 : memref<1x256xf32, #tpu.memory_space<hbm>> -> memref<256xf32, #tpu.memory_space<hbm>>
        tpu.wait_dma2 semaphore(%run_scoped3A : memref<!tpu.dma_semaphore, #tpu.memory_space<semaphore_mem>>) src(%arg10 : memref<256xf32, #tpu.memory_space<vmem>>) dst(%dma_wait3A_528 : memref<256xf32, #tpu.memory_space<hbm>>)
        tpu.yield
      }) : () -> ()
      %broadcast_in_dim3A_460 = vector.broadcast %select_n3A_173 : i32 to vector<16xi32>
      %swap3A_461 = arith.constant 0 : index
      %swap3A_462 = tpu.vector_load %arg13[%swap3A_461] {strides = array<i32>} : memref<16xi32, #tpu.memory_space<vmem>>, vector<16xi32>,
      %swap3A_463 = vector.shape_cast %swap3A_462 : vector<16xi32> to vector<16xi32>
      %swap3A_464 = vector.shape_cast %broadcast_in_dim3A_460 : vector<16xi32> to vector<16xi32>
      tpu.vector_store %arg13[%swap3A_461], %swap3A_464 {strides = array<i32>} : memref<16xi32, #tpu.memory_space<vmem>>, vector<16xi32>,
      "tpu.region"() ({
        %run_scoped3A = tpu.sem_alloc : memref<!tpu.dma_semaphore, #tpu.memory_space<semaphore_mem>>
        %dma_start3A_517 = arith.constant 0 : i32
        %dma_start3A_518 = tpu.memref_slice %arg6[%add3A, %dma_start3A_517] : memref<16x16xi32, #tpu.memory_space<hbm>> -> memref<1x16xi32, #tpu.memory_space<hbm>>
        %dma_start3A_519 = tpu.memref_squeeze %dma_start3A_518 : memref<1x16xi32, #tpu.memory_space<hbm>> -> memref<16xi32, #tpu.memory_space<hbm>>
        %dma_start3A_520 = arith.constant 0 : i32
        %dma_start3A_521 = tpu.memref_slice %arg6[%add3A, %dma_start3A_520] : memref<16x16xi32, #tpu.memory_space<hbm>> -> memref<1x16xi32, #tpu.memory_space<hbm>>
        %dma_start3A_522 = tpu.memref_squeeze %dma_start3A_521 : memref<1x16xi32, #tpu.memory_space<hbm>> -> memref<16xi32, #tpu.memory_space<hbm>>
        tpu.enqueue_dma source(%arg13 : memref<16xi32, #tpu.memory_space<vmem>>) target(%dma_start3A_522 : memref<16xi32, #tpu.memory_space<hbm>>) target_semaphore(%run_scoped3A : memref<!tpu.dma_semaphore, #tpu.memory_space<semaphore_mem>>)
        %dma_wait3A_523 = arith.constant 0 : i32
        %dma_wait3A_524 = tpu.memref_slice %arg6[%add3A, %dma_wait3A_523] : memref<16x16xi32, #tpu.memory_space<hbm>> -> memref<1x16xi32, #tpu.memory_space<hbm>>
        %dma_wait3A_525 = tpu.memref_squeeze %dma_wait3A_524 : memref<1x16xi32, #tpu.memory_space<hbm>> -> memref<16xi32, #tpu.memory_space<hbm>>
        %dma_wait3A_526 = arith.constant 0 : i32
        %dma_wait3A_527 = tpu.memref_slice %arg6[%add3A, %dma_wait3A_526] : memref<16x16xi32, #tpu.memory_space<hbm>> -> memref<1x16xi32, #tpu.memory_space<hbm>>
        %dma_wait3A_528 = tpu.memref_squeeze %dma_wait3A_527 : memref<1x16xi32, #tpu.memory_space<hbm>> -> memref<16xi32, #tpu.memory_space<hbm>>
        tpu.wait_dma2 semaphore(%run_scoped3A : memref<!tpu.dma_semaphore, #tpu.memory_space<semaphore_mem>>) src(%arg13 : memref<16xi32, #tpu.memory_space<vmem>>) dst(%dma_wait3A_528 : memref<16xi32, #tpu.memory_space<hbm>>)
        tpu.yield
      }) : () -> ()
      %slice3A_465 = vector.extract_strided_slice %add3A_459 {offsets = [0], sizes = [1], strides = [1]} : vector<16xf32> to vector<1xf32>
      %squeeze3A_466 = vector.extract %slice3A_465[0] : f32 from vector<1xf32>
      %slice3A_467 = vector.extract_strided_slice %add3A_459 {offsets = [1], sizes = [1], strides = [1]} : vector<16xf32> to vector<1xf32>
      %squeeze3A_468 = vector.extract %slice3A_467[0] : f32 from vector<1xf32>
      %add3A_469 = arith.addf %squeeze3A_466, %squeeze3A_468 : f32
      %slice3A_470 = vector.extract_strided_slice %add3A_459 {offsets = [2], sizes = [1], strides = [1]} : vector<16xf32> to vector<1xf32>
      %squeeze3A_471 = vector.extract %slice3A_470[0] : f32 from vector<1xf32>
      %add3A_472 = arith.addf %add3A_469, %squeeze3A_471 : f32
      %slice3A_473 = vector.extract_strided_slice %add3A_459 {offsets = [3], sizes = [1], strides = [1]} : vector<16xf32> to vector<1xf32>
      %squeeze3A_474 = vector.extract %slice3A_473[0] : f32 from vector<1xf32>
      %add3A_475 = arith.addf %add3A_472, %squeeze3A_474 : f32
      %slice3A_476 = vector.extract_strided_slice %add3A_459 {offsets = [4], sizes = [1], strides = [1]} : vector<16xf32> to vector<1xf32>
      %squeeze3A_477 = vector.extract %slice3A_476[0] : f32 from vector<1xf32>
      %add3A_478 = arith.addf %add3A_475, %squeeze3A_477 : f32
      %slice3A_479 = vector.extract_strided_slice %add3A_459 {offsets = [5], sizes = [1], strides = [1]} : vector<16xf32> to vector<1xf32>
      %squeeze3A_480 = vector.extract %slice3A_479[0] : f32 from vector<1xf32>
      %add3A_481 = arith.addf %add3A_478, %squeeze3A_480 : f32
      %slice3A_482 = vector.extract_strided_slice %add3A_459 {offsets = [6], sizes = [1], strides = [1]} : vector<16xf32> to vector<1xf32>
      %squeeze3A_483 = vector.extract %slice3A_482[0] : f32 from vector<1xf32>
      %add3A_484 = arith.addf %add3A_481, %squeeze3A_483 : f32
      %slice3A_485 = vector.extract_strided_slice %add3A_459 {offsets = [7], sizes = [1], strides = [1]} : vector<16xf32> to vector<1xf32>
      %squeeze3A_486 = vector.extract %slice3A_485[0] : f32 from vector<1xf32>
      %add3A_487 = arith.addf %add3A_484, %squeeze3A_486 : f32
      %slice3A_488 = vector.extract_strided_slice %add3A_459 {offsets = [8], sizes = [1], strides = [1]} : vector<16xf32> to vector<1xf32>
      %squeeze3A_489 = vector.extract %slice3A_488[0] : f32 from vector<1xf32>
      %add3A_490 = arith.addf %add3A_487, %squeeze3A_489 : f32
      %slice3A_491 = vector.extract_strided_slice %add3A_459 {offsets = [9], sizes = [1], strides = [1]} : vector<16xf32> to vector<1xf32>
      %squeeze3A_492 = vector.extract %slice3A_491[0] : f32 from vector<1xf32>
      %add3A_493 = arith.addf %add3A_490, %squeeze3A_492 : f32
      %slice3A_494 = vector.extract_strided_slice %add3A_459 {offsets = [10], sizes = [1], strides = [1]} : vector<16xf32> to vector<1xf32>
      %squeeze3A_495 = vector.extract %slice3A_494[0] : f32 from vector<1xf32>
      %add3A_496 = arith.addf %add3A_493, %squeeze3A_495 : f32
      %slice3A_497 = vector.extract_strided_slice %add3A_459 {offsets = [11], sizes = [1], strides = [1]} : vector<16xf32> to vector<1xf32>
      %squeeze3A_498 = vector.extract %slice3A_497[0] : f32 from vector<1xf32>
      %add3A_499 = arith.addf %add3A_496, %squeeze3A_498 : f32
      %slice3A_500 = vector.extract_strided_slice %add3A_459 {offsets = [12], sizes = [1], strides = [1]} : vector<16xf32> to vector<1xf32>
      %squeeze3A_501 = vector.extract %slice3A_500[0] : f32 from vector<1xf32>
      %add3A_502 = arith.addf %add3A_499, %squeeze3A_501 : f32
      %slice3A_503 = vector.extract_strided_slice %add3A_459 {offsets = [13], sizes = [1], strides = [1]} : vector<16xf32> to vector<1xf32>
      %squeeze3A_504 = vector.extract %slice3A_503[0] : f32 from vector<1xf32>
      %add3A_505 = arith.addf %add3A_502, %squeeze3A_504 : f32
      %slice3A_506 = vector.extract_strided_slice %add3A_459 {offsets = [14], sizes = [1], strides = [1]} : vector<16xf32> to vector<1xf32>
      %squeeze3A_507 = vector.extract %slice3A_506[0] : f32 from vector<1xf32>
      %add3A_508 = arith.addf %add3A_505, %squeeze3A_507 : f32
      %slice3A_509 = vector.extract_strided_slice %add3A_459 {offsets = [15], sizes = [1], strides = [1]} : vector<16xf32> to vector<1xf32>
      %squeeze3A_510 = vector.extract %slice3A_509[0] : f32 from vector<1xf32>
      %add3A_511 = arith.addf %add3A_508, %squeeze3A_510 : f32
      %broadcast_in_dim3A_512 = vector.broadcast %add3A_511 : f32 to vector<16xf32>
      %swap3A_513 = arith.constant 0 : index
      %swap3A_514 = tpu.vector_load %arg14[%swap3A_513] {strides = array<i32>} : memref<16xf32, #tpu.memory_space<vmem>>, vector<16xf32>,
      %swap3A_515 = vector.shape_cast %swap3A_514 : vector<16xf32> to vector<16xf32>
      %swap3A_516 = vector.shape_cast %broadcast_in_dim3A_512 : vector<16xf32> to vector<16xf32>
      tpu.vector_store %arg14[%swap3A_513], %swap3A_516 {strides = array<i32>} : memref<16xf32, #tpu.memory_space<vmem>>, vector<16xf32>,
      "tpu.region"() ({
        %run_scoped3A = tpu.sem_alloc : memref<!tpu.dma_semaphore, #tpu.memory_space<semaphore_mem>>
        %dma_start3A_517 = arith.constant 0 : i32
        %dma_start3A_518 = tpu.memref_slice %arg7[%add3A, %dma_start3A_517] : memref<16x16xf32, #tpu.memory_space<hbm>> -> memref<1x16xf32, #tpu.memory_space<hbm>>
        %dma_start3A_519 = tpu.memref_squeeze %dma_start3A_518 : memref<1x16xf32, #tpu.memory_space<hbm>> -> memref<16xf32, #tpu.memory_space<hbm>>
        %dma_start3A_520 = arith.constant 0 : i32
        %dma_start3A_521 = tpu.memref_slice %arg7[%add3A, %dma_start3A_520] : memref<16x16xf32, #tpu.memory_space<hbm>> -> memref<1x16xf32, #tpu.memory_space<hbm>>
        %dma_start3A_522 = tpu.memref_squeeze %dma_start3A_521 : memref<1x16xf32, #tpu.memory_space<hbm>> -> memref<16xf32, #tpu.memory_space<hbm>>
        tpu.enqueue_dma source(%arg14 : memref<16xf32, #tpu.memory_space<vmem>>) target(%dma_start3A_522 : memref<16xf32, #tpu.memory_space<hbm>>) target_semaphore(%run_scoped3A : memref<!tpu.dma_semaphore, #tpu.memory_space<semaphore_mem>>)
        %dma_wait3A_523 = arith.constant 0 : i32
        %dma_wait3A_524 = tpu.memref_slice %arg7[%add3A, %dma_wait3A_523] : memref<16x16xf32, #tpu.memory_space<hbm>> -> memref<1x16xf32, #tpu.memory_space<hbm>>
        %dma_wait3A_525 = tpu.memref_squeeze %dma_wait3A_524 : memref<1x16xf32, #tpu.memory_space<hbm>> -> memref<16xf32, #tpu.memory_space<hbm>>
        %dma_wait3A_526 = arith.constant 0 : i32
        %dma_wait3A_527 = tpu.memref_slice %arg7[%add3A, %dma_wait3A_526] : memref<16x16xf32, #tpu.memory_space<hbm>> -> memref<1x16xf32, #tpu.memory_space<hbm>>
        %dma_wait3A_528 = tpu.memref_squeeze %dma_wait3A_527 : memref<1x16xf32, #tpu.memory_space<hbm>> -> memref<16xf32, #tpu.memory_space<hbm>>
        tpu.wait_dma2 semaphore(%run_scoped3A : memref<!tpu.dma_semaphore, #tpu.memory_space<semaphore_mem>>) src(%arg14 : memref<16xf32, #tpu.memory_space<vmem>>) dst(%dma_wait3A_528 : memref<16xf32, #tpu.memory_space<hbm>>)
        tpu.yield
      }) : () -> ()
    } else {
    }
    return
  }
}

module attributes {stable_mosaic.version = 14 : i64} {
  func.func @_tc_kernel(%arg0: i32, %arg1: memref<4x512x1024xf32, #tpu.memory_space<vmem>>, %arg2: memref<1024x16xf32, #tpu.memory_space<vmem>>, %arg3: memref<16xf32, #tpu.memory_space<vmem>>, %arg4: memref<1024x1024xf32, #tpu.memory_space<vmem>>, %arg5: memref<1024xf32, #tpu.memory_space<vmem>>, %arg6: memref<4x1024x256xf32, #tpu.memory_space<vmem>>, %arg7: memref<16x1024xf32, #tpu.memory_space<vmem>>, %arg8: memref<16x256xf32, #tpu.memory_space<vmem>>, %arg9: memref<4x16xf32, #tpu.memory_space<vmem>>, %arg10: memref<4x16xf32, #tpu.memory_space<vmem>>, %arg11: memref<4x16x1024xf32, #tpu.memory_space<vmem>>, %arg12: memref<4x1024xf32, #tpu.memory_space<vmem>>) attributes {dimension_semantics = [#tpu.dimension_semantics<arbitrary>], iteration_bounds = array<i64: 16>, scalar_prefetch = 0 : i64, scratch_operands = 4 : i64, tpu.core_type = #tpu.core_type<tc>, window_params = [{transform_indices = @transform_0, window_bounds = array<i64: 4, 512, 1024>}, {pipeline_mode = #tpu.pipeline_mode<synchronous>, transform_indices = @transform_1, window_bounds = array<i64: 1024, 16>}, {pipeline_mode = #tpu.pipeline_mode<synchronous>, transform_indices = @transform_2, window_bounds = array<i64: 16>}, {pipeline_mode = #tpu.pipeline_mode<synchronous>, transform_indices = @transform_3, window_bounds = array<i64: 1024, 1024>}, {pipeline_mode = #tpu.pipeline_mode<synchronous>, transform_indices = @transform_4, window_bounds = array<i64: 1024>}, {transform_indices = @transform_5, window_bounds = array<i64: 4, 1024, 256>}, {transform_indices = @transform_6, window_bounds = array<i64: 16, 1024>}, {pipeline_mode = #tpu.pipeline_mode<synchronous>, transform_indices = @transform_7, window_bounds = array<i64: 16, 256>}]} {
    %eq3A = arith.constant 0 : i32
    %eq3A_0 = arith.cmpi eq, %arg0, %eq3A : i32
    %convert_element_type3A = arith.extui %eq3A_0 : i1 to i32
    %cond3A = arith.constant 0 : i32
    %cond3A_1 = arith.cmpi ne, %convert_element_type3A, %cond3A : i32
    scf.if %cond3A_1 {
      %broadcast_in_dim3A = arith.constant 0xFF800000 : f32
      %broadcast_in_dim3A_10 = vector.broadcast %broadcast_in_dim3A : f32 to vector<4x16xf32>
      %swap3A = arith.constant 0 : index
      %swap3A_11 = arith.constant 0 : index
      %swap3A_12 = vector.load %arg9[%swap3A, %swap3A_11] : memref<4x16xf32, #tpu.memory_space<vmem>>, vector<4x16xf32>
      tpu.vector_store %arg9[%swap3A, %swap3A_11], %broadcast_in_dim3A_10 {strides = array<i32>} : memref<4x16xf32, #tpu.memory_space<vmem>>, vector<4x16xf32>,
      %broadcast_in_dim3A_13 = arith.constant 0.000000e+00 : f32
      %broadcast_in_dim3A_14 = vector.broadcast %broadcast_in_dim3A_13 : f32 to vector<4x16xf32>
      %swap3A_15 = arith.constant 0 : index
      %swap3A_16 = arith.constant 0 : index
      %swap3A_17 = vector.load %arg10[%swap3A_15, %swap3A_16] : memref<4x16xf32, #tpu.memory_space<vmem>>, vector<4x16xf32>
      tpu.vector_store %arg10[%swap3A_15, %swap3A_16], %broadcast_in_dim3A_14 {strides = array<i32>} : memref<4x16xf32, #tpu.memory_space<vmem>>, vector<4x16xf32>,
      %broadcast_in_dim3A_18 = arith.constant 0.000000e+00 : f32
      %broadcast_in_dim3A_19 = vector.broadcast %broadcast_in_dim3A_18 : f32 to vector<4x16x1024xf32>
      %swap3A_20 = arith.constant 0 : index
      %swap3A_21 = arith.constant 0 : index
      %swap3A_22 = arith.constant 0 : index
      %swap3A_23 = vector.load %arg11[%swap3A_20, %swap3A_21, %swap3A_22] : memref<4x16x1024xf32, #tpu.memory_space<vmem>>, vector<4x16x1024xf32>
      tpu.vector_store %arg11[%swap3A_20, %swap3A_21, %swap3A_22], %broadcast_in_dim3A_19 {strides = array<i32>} : memref<4x16x1024xf32, #tpu.memory_space<vmem>>, vector<4x16x1024xf32>,
    } else {
    }
    %lt3A = arith.constant 8 : i32
    %lt3A_2 = arith.cmpi slt, %arg0, %lt3A : i32
    %convert_element_type3A_3 = arith.extui %lt3A_2 : i1 to i32
    %cond3A_4 = arith.constant 0 : i32
    %cond3A_5 = arith.cmpi ne, %convert_element_type3A_3, %cond3A_4 : i32
    scf.if %cond3A_5 {
      %get3A = arith.constant 0 : index
      %get3A_10 = arith.constant 0 : index
      %get3A_11 = arith.constant 0 : index
      %get3A_12 = vector.load %arg1[%get3A, %get3A_10, %get3A_11] : memref<4x512x1024xf32, #tpu.memory_space<vmem>>, vector<4x512x1024xf32>
      %reshape3A = vector.shape_cast %get3A_12 : vector<4x512x1024xf32> to vector<2048x1024xf32>
      %get3A_13 = arith.constant 0 : index
      %get3A_14 = arith.constant 0 : index
      %get3A_15 = vector.load %arg2[%get3A_13, %get3A_14] : memref<1024x16xf32, #tpu.memory_space<vmem>>, vector<1024x16xf32>
      %dot_general3A = arith.constant dense<0.000000e+00> : vector<2048x16xf32>
      %dot_general3A_16 = tpu.matmul %reshape3A, %get3A_15, %dot_general3A {dimension_numbers = #tpu.dot_dimension_numbers<[1], [0], [0], [1], [0, 0, 1, 1], [], []>, transpose_lhs_hint = false} : vector<2048x1024xf32>, vector<1024x16xf32>, vector<2048x16xf32> -> vector<2048x16xf32>
      %reshape3A_17 = vector.shape_cast %dot_general3A_16 : vector<2048x16xf32> to vector<4x512x16xf32>
      %get3A_18 = arith.constant 0 : index
      %get3A_19 = vector.load %arg3[%get3A_18] : memref<16xf32, #tpu.memory_space<vmem>>, vector<16xf32>
      %broadcast_in_dim3A = vector.shape_cast %get3A_19 : vector<16xf32> to vector<1x1x16xf32>
      %add3A = vector.broadcast %broadcast_in_dim3A : vector<1x1x16xf32> to vector<4x512x16xf32>
      %add3A_20 = arith.addf %reshape3A_17, %add3A : vector<4x512x16xf32>
      %get3A_21 = arith.constant 0 : index
      %get3A_22 = arith.constant 0 : index
      %get3A_23 = vector.load %arg9[%get3A_21, %get3A_22] : memref<4x16xf32, #tpu.memory_space<vmem>>, vector<4x16xf32>
      %reduce_max3A = arith.constant dense<0xFF800000> : vector<4x16xf32>
      %reduce_max3A_24 = vector.multi_reduction <maximumf>, %add3A_20, %reduce_max3A [1] : vector<4x512x16xf32> to vector<4x16xf32>
      %max3A = arith.maximumf %get3A_23, %reduce_max3A_24 : vector<4x16xf32>
      %sub3A = arith.subf %get3A_23, %max3A : vector<4x16xf32>
      %exp3A = math.exp %sub3A : vector<4x16xf32>
      %broadcast_in_dim3A_25 = vector.shape_cast %max3A : vector<4x16xf32> to vector<4x1x16xf32>
      %sub3A_26 = vector.broadcast %broadcast_in_dim3A_25 : vector<4x1x16xf32> to vector<4x512x16xf32>
      %sub3A_27 = arith.subf %add3A_20, %sub3A_26 : vector<4x512x16xf32>
      %exp3A_28 = math.exp %sub3A_27 : vector<4x512x16xf32>
      %get3A_29 = arith.constant 0 : index
      %get3A_30 = arith.constant 0 : index
      %get3A_31 = vector.load %arg10[%get3A_29, %get3A_30] : memref<4x16xf32, #tpu.memory_space<vmem>>, vector<4x16xf32>
      %mul3A = arith.mulf %get3A_31, %exp3A : vector<4x16xf32>
      %reduce_sum3A = arith.constant dense<0.000000e+00> : vector<4x16xf32>
      %reduce_sum3A_32 = vector.multi_reduction <add>, %exp3A_28, %reduce_sum3A [1] : vector<4x512x16xf32> to vector<4x16xf32>
      %add3A_33 = arith.addf %mul3A, %reduce_sum3A_32 : vector<4x16xf32>
      %swap3A = arith.constant 0 : index
      %swap3A_34 = arith.constant 0 : index
      %swap3A_35 = vector.load %arg10[%swap3A, %swap3A_34] : memref<4x16xf32, #tpu.memory_space<vmem>>, vector<4x16xf32>
      tpu.vector_store %arg10[%swap3A, %swap3A_34], %add3A_33 {strides = array<i32>} : memref<4x16xf32, #tpu.memory_space<vmem>>, vector<4x16xf32>,
      %dot_general3A_36 = arith.constant dense<0.000000e+00> : vector<4x16x1024xf32>
      %dot_general3A_37 = tpu.matmul %exp3A_28, %get3A_12, %dot_general3A_36 {dimension_numbers = #tpu.dot_dimension_numbers<[1], [1], [2], [2], [0, 0, 0, 2, 1, 2], [0], [0]>, transpose_lhs_hint = false} : vector<4x512x16xf32>, vector<4x512x1024xf32>, vector<4x16x1024xf32> -> vector<4x16x1024xf32>
      %get3A_38 = arith.constant 0 : index
      %get3A_39 = arith.constant 0 : index
      %get3A_40 = arith.constant 0 : index
      %get3A_41 = vector.load %arg11[%get3A_38, %get3A_39, %get3A_40] : memref<4x16x1024xf32, #tpu.memory_space<vmem>>, vector<4x16x1024xf32>
      %broadcast_in_dim3A_42 = vector.shape_cast %exp3A : vector<4x16xf32> to vector<4x16x1xf32>
      %mul3A_43 = vector.broadcast %broadcast_in_dim3A_42 : vector<4x16x1xf32> to vector<4x16x1024xf32>
      %mul3A_44 = arith.mulf %get3A_41, %mul3A_43 : vector<4x16x1024xf32>
      %add3A_45 = arith.addf %mul3A_44, %dot_general3A_37 : vector<4x16x1024xf32>
      %swap3A_46 = arith.constant 0 : index
      %swap3A_47 = arith.constant 0 : index
      %swap3A_48 = arith.constant 0 : index
      %swap3A_49 = vector.load %arg11[%swap3A_46, %swap3A_47, %swap3A_48] : memref<4x16x1024xf32, #tpu.memory_space<vmem>>, vector<4x16x1024xf32>
      tpu.vector_store %arg11[%swap3A_46, %swap3A_47, %swap3A_48], %add3A_45 {strides = array<i32>} : memref<4x16x1024xf32, #tpu.memory_space<vmem>>, vector<4x16x1024xf32>,
      %swap3A_50 = arith.constant 0 : index
      %swap3A_51 = arith.constant 0 : index
      %swap3A_52 = vector.load %arg9[%swap3A_50, %swap3A_51] : memref<4x16xf32, #tpu.memory_space<vmem>>, vector<4x16xf32>
      tpu.vector_store %arg9[%swap3A_50, %swap3A_51], %max3A {strides = array<i32>} : memref<4x16xf32, #tpu.memory_space<vmem>>, vector<4x16xf32>,
      %eq3A_53 = arith.constant 7 : i32
      %eq3A_54 = arith.cmpi eq, %arg0, %eq3A_53 : i32
      %convert_element_type3A_55 = arith.extui %eq3A_54 : i1 to i32
      %cond3A_56 = arith.constant 0 : i32
      %cond3A_57 = arith.cmpi ne, %convert_element_type3A_55, %cond3A_56 : i32
      scf.if %cond3A_57 {
        %get3A_58 = arith.constant 0 : index
        %get3A_59 = arith.constant 0 : index
        %get3A_60 = arith.constant 0 : index
        %get3A_61 = vector.load %arg11[%get3A_58, %get3A_59, %get3A_60] : memref<4x16x1024xf32, #tpu.memory_space<vmem>>, vector<4x16x1024xf32>
        %get3A_62 = arith.constant 0 : index
        %get3A_63 = arith.constant 0 : index
        %get3A_64 = vector.load %arg10[%get3A_62, %get3A_63] : memref<4x16xf32, #tpu.memory_space<vmem>>, vector<4x16xf32>
        %broadcast_in_dim3A_65 = vector.shape_cast %get3A_64 : vector<4x16xf32> to vector<4x16x1xf32>
        %div3A = vector.broadcast %broadcast_in_dim3A_65 : vector<4x16x1xf32> to vector<4x16x1024xf32>
        %div3A_66 = arith.divf %get3A_61, %div3A : vector<4x16x1024xf32>
        %get3A_67 = arith.constant 0 : index
        %get3A_68 = arith.constant 0 : index
        %get3A_69 = vector.load %arg4[%get3A_67, %get3A_68] : memref<1024x1024xf32, #tpu.memory_space<vmem>>, vector<1024x1024xf32>
        %reshape3A_70 = vector.shape_cast %get3A_69 : vector<1024x1024xf32> to vector<1024x16x64xf32>
        %dot_general3A_71 = arith.constant dense<0.000000e+00> : vector<16x4x64xf32>
        %dot_general3A_72 = tpu.matmul %div3A_66, %reshape3A_70, %dot_general3A_71 {dimension_numbers = #tpu.dot_dimension_numbers<[2], [0], [0], [2], [0, 1, 0, 0, 1, 2], [1], [1]>, transpose_lhs_hint = false} : vector<4x16x1024xf32>, vector<1024x16x64xf32>, vector<16x4x64xf32> -> vector<16x4x64xf32>
        %transpose3A = tpu.transpose %dot_general3A_72, [1, 0, 2] : vector<16x4x64xf32> -> vector<4x16x64xf32>
        %reshape3A_73 = vector.shape_cast %transpose3A : vector<4x16x64xf32> to vector<4x1024xf32>
        %get3A_74 = arith.constant 0 : index
        %get3A_75 = vector.load %arg5[%get3A_74] : memref<1024xf32, #tpu.memory_space<vmem>>, vector<1024xf32>
        %broadcast_in_dim3A_76 = vector.shape_cast %get3A_75 : vector<1024xf32> to vector<1x1024xf32>
        %add3A_77 = vector.broadcast %broadcast_in_dim3A_76 : vector<1x1024xf32> to vector<4x1024xf32>
        %add3A_78 = arith.addf %reshape3A_73, %add3A_77 : vector<4x1024xf32>
        %swap3A_79 = arith.constant 0 : index
        %swap3A_80 = arith.constant 0 : index
        %swap3A_81 = vector.load %arg12[%swap3A_79, %swap3A_80] : memref<4x1024xf32, #tpu.memory_space<vmem>>, vector<4x1024xf32>
        tpu.vector_store %arg12[%swap3A_79, %swap3A_80], %add3A_78 {strides = array<i32>} : memref<4x1024xf32, #tpu.memory_space<vmem>>, vector<4x1024xf32>,
        %reshape3A_82 = vector.shape_cast %add3A_78 : vector<4x1024xf32> to vector<4x4x256xf32>
        %transpose3A_83 = tpu.transpose %reshape3A_82, [1, 0, 2] : vector<4x4x256xf32> -> vector<4x4x256xf32>
        %reshape3A_84 = vector.shape_cast %transpose3A_83 : vector<4x4x256xf32> to vector<16x256xf32>
        %swap3A_85 = arith.constant 0 : index
        %swap3A_86 = arith.constant 0 : index
        %swap3A_87 = vector.load %arg8[%swap3A_85, %swap3A_86] : memref<16x256xf32, #tpu.memory_space<vmem>>, vector<16x256xf32>
        tpu.vector_store %arg8[%swap3A_85, %swap3A_86], %reshape3A_84 {strides = array<i32>} : memref<16x256xf32, #tpu.memory_space<vmem>>, vector<16x256xf32>,
      } else {
      }
    } else {
    }
    %ge3A = arith.constant 8 : i32
    %ge3A_6 = arith.cmpi sge, %arg0, %ge3A : i32
    %convert_element_type3A_7 = arith.extui %ge3A_6 : i1 to i32
    %cond3A_8 = arith.constant 0 : i32
    %cond3A_9 = arith.cmpi ne, %convert_element_type3A_7, %cond3A_8 : i32
    scf.if %cond3A_9 {
      %get3A = arith.constant 0 : index
      %get3A_10 = arith.constant 0 : index
      %get3A_11 = vector.load %arg12[%get3A, %get3A_10] : memref<4x1024xf32, #tpu.memory_space<vmem>>, vector<4x1024xf32>
      %reshape3A = vector.shape_cast %get3A_11 : vector<4x1024xf32> to vector<4x4x256xf32>
      %get3A_12 = arith.constant 0 : index
      %get3A_13 = arith.constant 0 : index
      %get3A_14 = arith.constant 0 : index
      %get3A_15 = vector.load %arg6[%get3A_12, %get3A_13, %get3A_14] : memref<4x1024x256xf32, #tpu.memory_space<vmem>>, vector<4x1024x256xf32>
      %mul3A = arith.mulf %reshape3A, %reshape3A : vector<4x4x256xf32>
      %reduce_sum3A = arith.constant dense<0.000000e+00> : vector<4x4xf32>
      %reduce_sum3A_16 = vector.multi_reduction <add>, %mul3A, %reduce_sum3A [2] : vector<4x4x256xf32> to vector<4x4xf32>
      %mul3A_17 = arith.mulf %get3A_15, %get3A_15 : vector<4x1024x256xf32>
      %reduce_sum3A_18 = arith.constant dense<0.000000e+00> : vector<4x1024xf32>
      %reduce_sum3A_19 = vector.multi_reduction <add>, %mul3A_17, %reduce_sum3A_18 [2] : vector<4x1024x256xf32> to vector<4x1024xf32>
      %dot_general3A = arith.constant dense<0.000000e+00> : vector<4x4x1024xf32>
      %dot_general3A_20 = tpu.matmul %reshape3A, %get3A_15, %dot_general3A {dimension_numbers = #tpu.dot_dimension_numbers<[2], [2], [0], [1], [0, 1, 0, 0, 1, 1], [1], [0]>, precision = #tpu.contract_precision<fp32>, transpose_lhs_hint = false} : vector<4x4x256xf32>, vector<4x1024x256xf32>, vector<4x4x1024xf32> -> vector<4x4x1024xf32>
      %transpose3A = tpu.transpose %reduce_sum3A_16, [1, 0] : vector<4x4xf32> -> vector<4x4xf32>
      %broadcast_in_dim3A = vector.shape_cast %transpose3A : vector<4x4xf32> to vector<4x4x1xf32>
      %broadcast_in_dim3A_21 = vector.shape_cast %reduce_sum3A_19 : vector<4x1024xf32> to vector<4x1x1024xf32>
      %add3A = vector.broadcast %broadcast_in_dim3A : vector<4x4x1xf32> to vector<4x4x1024xf32>
      %add3A_22 = vector.broadcast %broadcast_in_dim3A_21 : vector<4x1x1024xf32> to vector<4x4x1024xf32>
      %add3A_23 = arith.addf %add3A, %add3A_22 : vector<4x4x1024xf32>
      %mul3A_24 = arith.constant 2.000000e+00 : f32
      %mul3A_25 = vector.broadcast %mul3A_24 : f32 to vector<4x4x1024xf32>
      %mul3A_26 = arith.mulf %mul3A_25, %dot_general3A_20 : vector<4x4x1024xf32>
      %sub3A = arith.subf %add3A_23, %mul3A_26 : vector<4x4x1024xf32>
      %reshape3A_27 = vector.shape_cast %sub3A : vector<4x4x1024xf32> to vector<16x1024xf32>
      %swap3A = arith.constant 0 : index
      %swap3A_28 = arith.constant 0 : index
      %swap3A_29 = vector.load %arg7[%swap3A, %swap3A_28] : memref<16x1024xf32, #tpu.memory_space<vmem>>, vector<16x1024xf32>
      tpu.vector_store %arg7[%swap3A, %swap3A_28], %reshape3A_27 {strides = array<i32>} : memref<16x1024xf32, #tpu.memory_space<vmem>>, vector<16x1024xf32>,
    } else {
    }
    return
  }
  func.func @transform_0(%arg0: i32) -> (i32, i32, i32) {
    %min3A = arith.constant 7 : i32
    %min3A_0 = arith.minsi %arg0, %min3A : i32
    %c0_i32 = arith.constant 0 : i32
    %c0_i32_1 = arith.constant 0 : i32
    %c0_i32_2 = arith.constant 0 : i32
    return %c0_i32, %min3A_0, %c0_i32_1 : i32, i32, i32
  }
  func.func @transform_1(%arg0: i32) -> (i32, i32) {
    %c0_i32 = arith.constant 0 : i32
    %c0_i32_0 = arith.constant 0 : i32
    %c0_i32_1 = arith.constant 0 : i32
    return %c0_i32, %c0_i32_0 : i32, i32
  }
  func.func @transform_2(%arg0: i32) -> i32 {
    %c0_i32 = arith.constant 0 : i32
    %c0_i32_0 = arith.constant 0 : i32
    return %c0_i32 : i32
  }
  func.func @transform_3(%arg0: i32) -> (i32, i32) {
    %c0_i32 = arith.constant 0 : i32
    %c0_i32_0 = arith.constant 0 : i32
    %c0_i32_1 = arith.constant 0 : i32
    return %c0_i32, %c0_i32_0 : i32, i32
  }
  func.func @transform_4(%arg0: i32) -> i32 {
    %c0_i32 = arith.constant 0 : i32
    %c0_i32_0 = arith.constant 0 : i32
    return %c0_i32 : i32
  }
  func.func @transform_5(%arg0: i32) -> (i32, i32, i32) {
    %sub3A = arith.constant 8 : i32
    %sub3A_0 = arith.subi %arg0, %sub3A : i32
    %max3A = arith.constant 0 : i32
    %max3A_1 = arith.maxsi %sub3A_0, %max3A : i32
    %c0_i32 = arith.constant 0 : i32
    %c0_i32_2 = arith.constant 0 : i32
    %c0_i32_3 = arith.constant 0 : i32
    return %c0_i32, %max3A_1, %c0_i32_2 : i32, i32, i32
  }
  func.func @transform_6(%arg0: i32) -> (i32, i32) {
    %sub3A = arith.constant 8 : i32
    %sub3A_0 = arith.subi %arg0, %sub3A : i32
    %max3A = arith.constant 0 : i32
    %max3A_1 = arith.maxsi %sub3A_0, %max3A : i32
    %c0_i32 = arith.constant 0 : i32
    %c0_i32_2 = arith.constant 0 : i32
    return %c0_i32, %max3A_1 : i32, i32
  }
  func.func @transform_7(%arg0: i32) -> (i32, i32) {
    %c0_i32 = arith.constant 0 : i32
    %c0_i32_0 = arith.constant 0 : i32
    %c0_i32_1 = arith.constant 0 : i32
    return %c0_i32, %c0_i32_0 : i32, i32
  }
}

</mosaic_0001>

<sc_bundles>
// kernel: _run.4.cloned.1.call-start
scs
__scs_entry_jumppad:
0x0: {  	(pc) =	sbr.rel $0x88, $3  }
0x1: {  	(tag) =	ssettag $0x0;
	lr =	simm.s32 $0x1  }
0x2: {  	[smem:$0x3F9B] =	sst lr;
	_ =	strace $0xD0000000  }
0x3: {  	_ = 	snop  }
0x4: {  	_ = 	snop  }
0x5: {  	_ = 	snop  }
0x6: {  	_ = 	snop  }
0x7: {  	_ = 	snop  }
__scs_overlays_trampoline_lowered:
0x8: {  	[smem:$0x3FAA] =	sst s0  }
0x9: {  	[smem:$0x3FAB] =	sst s1  }
0xa: {  	[smem:$0x3FAC] =	sst s2  }
0xb: {  	[smem:$0x3FAD] =	sst s3  }
0xc: {  	[smem:$0x3FAE] =	sst s4  }
0xd: {  	[smem:$0x3FAF] =	sst s5  }
0xe: {  	[smem:$0x3FB0] =	sst s6  }
0xf: {  	[smem:$0x3FB1] =	sst s7  }
0x10: {  	[smem:$0x3FB2] =	sst s8  }
0x11: {  	[smem:$0x3FB3] =	sst s9;
	s0 =	simm.s32 @!p0 $0x0  }
0x12: {  	s1 =	sld [smem:$0x3F99];
	s0 =	simm.s32 @p0 $0x1  }
0x13: {  	[smem:$0x3FB4] =	sst s0;
	s0 =	simm.s32 @!p1 $0x0  }
0x14: {  	s2 =	sld [smem:$0x3F98];
	s0 =	simm.s32 @p1 $0x1  }
0x15: {  	[smem:$0x3FB5] =	sst s0;
	s0 =	simm.s32 @!p2 $0x0  }
0x16: {  	s3 =	sld [smem:$0x3FDB];
	s0 =	simm.s32 @p2 $0x1  }
0x17: {  	s4 =	simm.s32 $0x1BF5;
	[smem:$0x3FB7] =	sst s0  }
0x18: {  	s0 =	sld [smem:$0x3F9A];
	_ =	swait.ge [sflag:s4], $0x0  }
0x19: {  	s7 =	sld [smem:$0x3F9B]  }
0x1a: {  	s8 =	sadd.s32 $0xFFFFE003, lr  }
0x1b: {  	s9 =	sadd.s32 $0xFFFFFEF7, lr;
	s5 =	simm.s32 $0xFFFFFFFF;
	p2 =	slt.u32 s8, $0xFFFFF086  }
0x1c: {  	p1 =	slt.u32 s9, $0xF7A;
	s5 =	simm.s32 @!p2 $0x0  }
0x1d: {  	s5 =	simm.s32 @p1 $0x1;
	p0 =	seq.s32 s7, s2  }
0x1e: {  	s7 =	smul.u32 @!p0 $0xF7A, s2;
	p2 =	seq.s32 @!p0 s5, $0x0  }
0x1f: {  	s9 =	smul.u32 $0xF7A, s1;
	s8 =	simm.s32 @!p0 $0x1BF5;
	p2 =	por !p2, p0  }
0x20: {  	[sflag:s8] =	ssyncset.s32 @!p0 $0xFFFFF086;
	s6 =	sadd.s32 @!p0 s3, s7;
	s7 =	simm.s32 @!p0 $0x108  }
0x21: {  	s3 =	sadd.s32 s3, s9;
	s6 =	sadd.s32 @!p0 $0x88, s6;
	s7 =	simm.s32 @p2 $0x1082  }
0x22: {  	[simem:s7], [sflag:s8] =	dma.local @!p0 [hbm:s6], $0xF7A  }
0x23: {  	s9 =	sor.u32 $0xD0000000, s2;
	s6 =	simm.s32 $0x108;
	_ =	swait.ge @!p0 [sflag:s8], $0x0  }
0x24: {  	s3 =	sadd.s32 $0x88, s3;
	s6 =	simm.s32 @!p1 $0x1082;
	[sflag:s4] =	ssyncset.s32 $0xFFFFF086  }
0x25: {  	[simem:s6], [sflag:s4] =	dma.local [hbm:s3], $0xF7A  }
0x26: {  	[smem:$0x3F9B] =	sst s1;
	(tag) =	ssettag s2;
	_ =	strace s9  }
0x27: {  	s1 =	sld [smem:$0x3FAB]  }
0x28: {  	s2 =	sld [smem:$0x3FAC]  }
0x29: {  	s4 =	sld [smem:$0x3FAE]  }
0x2a: {  	p0 =	seq.s32 s5, $0x0;
	s5 =	sld [smem:$0x3FAF]  }
0x2b: {  	s6 =	sld [smem:$0x3FB0]  }
0x2c: {  	s7 =	sld [smem:$0x3FB1]  }
0x2d: {  	s3 =	simm.s32 $0x108;
	s8 =	sld [smem:$0x3FB2]  }
0x2e: {  	s3 =	simm.s32 @!p0 $0x1082;
	s9 =	sld [smem:$0x3FB3]  }
0x2f: {  	lr =	sadd.s32 s0, s3;
	s0 =	sld [smem:$0x3FAA]  }
0x30: {  	s3 =	sld [smem:$0x3FAD]  }
0x31: {  	[smem:$0x3FB6] =	sst s10  }
0x32: {  	s10 =	sld [smem:$0x3FB4];
	_ =	sdelay $0x3  }
0x33: {  	p0 =	seq.s32 s10, $0x1;
	s10 =	sld [smem:$0x3FB6];
	_ =	sdelay $0x3  }
0x34: {  	[smem:$0x3FB6] =	sst s10  }
0x35: {  	s10 =	sld [smem:$0x3FB5];
	_ =	sdelay $0x3  }
0x36: {  	p1 =	seq.s32 s10, $0x1;
	s10 =	sld [smem:$0x3FB6];
	_ =	sdelay $0x3  }
0x37: {  	[smem:$0x3FB6] =	sst s10  }
0x38: {  	s10 =	sld [smem:$0x3FB7]  }
0x39: {  	_ = 	snop;
	(pc) =	sbr.ind lr, $3  }
0x3a: {  	_ = 	snop  }
0x3b: {  	_ = 	snop  }
0x3c: {  	p2 =	seq.s32 s10, $0x1;
	s10 =	sld [smem:$0x3FB6]  }
0x3d: {  	_ =	shalt  }
0x3e: {  	_ =	shalt  }
0x3f: {  	_ =	shalt  }
0x40: {  	_ =	shalt  }
0x41: {  	_ =	shalt  }
0x42: {  	_ =	shalt  }
0x43: {  	_ =	shalt  }
0x44: {  	_ =	shalt  }
0x45: {  	_ =	shalt  }
0x46: {  	_ =	shalt  }
0x47: {  	_ =	shalt  }
0x48: {  	_ =	shalt  }
0x49: {  	_ =	shalt  }
0x4a: {  	_ =	shalt  }
0x4b: {  	_ =	shalt  }
0x4c: {  	_ =	shalt  }
0x4d: {  	_ =	shalt  }
0x4e: {  	_ =	shalt  }
0x4f: {  	_ =	shalt  }
0x50: {  	_ =	shalt  }
0x51: {  	_ =	shalt  }
0x52: {  	_ =	shalt  }
0x53: {  	_ =	shalt  }
0x54: {  	_ =	shalt  }
0x55: {  	_ =	shalt  }
0x56: {  	_ =	shalt  }
0x57: {  	_ =	shalt  }
0x58: {  	_ =	shalt  }
0x59: {  	_ =	shalt  }
0x5a: {  	_ =	shalt  }
0x5b: {  	_ =	shalt  }
0x5c: {  	_ =	shalt  }
0x5d: {  	_ =	shalt  }
0x5e: {  	_ =	shalt  }
0x5f: {  	_ =	shalt  }
0x60: {  	_ =	shalt  }
0x61: {  	_ =	shalt  }
0x62: {  	_ =	shalt  }
0x63: {  	_ =	shalt  }
0x64: {  	_ =	shalt  }
0x65: {  	_ =	shalt  }
0x66: {  	_ =	shalt  }
0x67: {  	_ =	shalt  }
0x68: {  	_ =	shalt  }
0x69: {  	_ =	shalt  }
0x6a: {  	_ =	shalt  }
0x6b: {  	_ =	shalt  }
0x6c: {  	_ =	shalt  }
0x6d: {  	_ =	shalt  }
0x6e: {  	_ =	shalt  }
0x6f: {  	_ =	shalt  }
0x70: {  	_ =	shalt  }
0x71: {  	_ =	shalt  }
0x72: {  	_ =	shalt  }
0x73: {  	_ =	shalt  }
0x74: {  	_ =	shalt  }
0x75: {  	_ =	shalt  }
0x76: {  	_ =	shalt  }
0x77: {  	_ =	shalt  }
0x78: {  	_ =	shalt  }
0x79: {  	_ =	shalt  }
0x7a: {  	_ =	shalt  }
0x7b: {  	_ =	shalt  }
0x7c: {  	_ =	shalt  }
0x7d: {  	_ =	shalt  }
0x7e: {  	_ =	shalt  }
0x7f: {  	_ =	shalt  }
0x80: {  	_ =	shalt  }
0x81: {  	_ =	shalt  }
0x82: {  	_ =	shalt  }
0x83: {  	_ =	shalt  }
0x84: {  	_ =	shalt  }
0x85: {  	_ =	shalt  }
0x86: {  	_ =	shalt  }
0x87: {  	_ =	shalt  }
.Lfunc_end0:
.L_simem_size_0:
called_computation_lowered:
.L_overlay_start_0:
0x88: {  	s2 =	sld [smem:$0x3FD9]  }
0x89: {  	s3 =	sld [smem:$0x3FFE];
	_ =	sdelay $0x1  }
0x8a: {  	s1 =	srdreg.scid  }
0x8b: {  	s0 =	sand.u32 $0x1, s1  }
0x8c: {  	s14 =	sshll.u32 s0, $0xA;
	s2 =	sadd.s32 s3, s2  }
0x8d: {  	s2 =	sadd.s32 s2, s14  }
0x8e: {  	[smem:$0x3FC2] =	sst s2  }
0x8f: {  	_ = 	snop  }
0x90: {  	s2 =	sld [smem:$0x3FD0];
	_ =	sdelay $0x2  }
0x91: {  	s4 =	simm.s32 $0xA;
	s5 =	simm.s32 $0x10;
	s15 =	sld [smem:$0x3FC4]  }
0x92: {  	[smem:s5], [sflag:s4] =	dma.local [hbm:s2], $0x1  }
0x93: {  	_ =	swait.eq [sflag:s4], $0x1  }
0x94: {  	[sflag:s4] =	ssyncset.done $0x0  }
0x95: {  	[sflag:s4] =	ssyncadd.s32 $0xFFFFFFFF  }
0x96: {  	s16 =	sld [smem:$0x10];
	(tm) =	ssettm $0x1  }
0x97: {  	s17 =	sld [smem:$0x3FFB];
	_ =	sdelay $0x3  }
0x98: {  	_ =	strace s17  }
0x99: {  	s4 =	sld [smem:$0x3FFC];
	_ =	sdelay $0x3  }
0x9a: {  	_ =	strace s4  }
0x9b: {  	s4 =	sld [smem:$0x3FFD];
	_ =	sdelay $0x3  }
0x9c: {  	_ =	strace s4  }
0x9d: {  	_ =	strace $0x8FFFFFFF  }
0x9e: {  	s18 =	sld [smem:$0x3FDB];
	_ =	sdelay $0x1  }
0x9f: {  	s19 =	simm.s32 $_scs_section_size  }
0xa0: {  	s6 =	simm.s32 $_size__tile_overlayer_lowered;
	s7 =	simm.s32 $_tile_overlayer_lowered  }
0xa1: {  	s22 =	simm.s32 $0x1BFF;
	s21 =	sshll.u32 s7, $0x1;
	s4 =	sadd.s32 s19, s18  }
0xa2: {  	s8 =	simm.s32 $0x0;
	s20 =	sshll.u32 s6, $0x1;
	s6 =	sadd.s32 s21, s4  }
0xa3: {  	[timem:s8], [sflag:s22] =	dma.local [hbm:s6], s20  }
0xa4: {  	_ =	swait.ge [sflag:s22], s20  }
0xa5: {  	s5 =	ssub.s32 $0x0, s20;
	[sflag:s22] =	ssyncset.done $0x0  }
0xa6: {  	[sflag:s22] =	ssyncadd.s32 s5;
	_ =	sdelay $0x1  }
0xa7: {  	s23 =	simm.s32 $0x1B8B  }
0xa8: {  	_ =	swait.ge [sflag:s23], $0x1  }
0xa9: {  	[sflag:s23] =	ssyncset.done $0x0  }
0xaa: {  	s25 =	simm.s32 $0x1B8E;
	s24 =	sld [smem:$0x3FFE];
	[sflag:s23] =	ssyncadd.s32 $0xFFFFFFFF  }
0xab: {  	s26 =	simm.s32 $execute0_lowered;
	[smem:$0x3FD2] =	sst s25  }
0xac: {  	s6 =	sshll.u32 s26, $0x1;
	_ =	strace $0x80000046;
	[dreg:$0x1] =	wrdreg $0xFFFFFFFF  }
0xad: {  	s28 =	simm.s32 $_size_execute0_lowered;
	s4 =	sadd.s32 s4, s6;
	[dreg:$0x0] =	wrdreg $0x0  }
0xae: {  	s6 =	sshll.u32 s28, $0x1;
	[dreg:$0x2] =	wrdreg s4  }
0xaf: {  	[dreg:$0x3] =	wrdreg s6  }
0xb0: {  	[dreg:$0x4] =	wrdreg $0xC0  }
0xb1: {  	_ =	task [dreg:s8], $0x5FFFF  }
0xb2: {  	[dreg:$0x1] =	wrdreg $0xFFFFFFFF  }
0xb3: {  	[dreg:$0x0] =	wrdreg $0x60  }
0xb4: {  	[dreg:$0x2] =	wrdreg s24  }
0xb5: {  	[dreg:$0x3] =	wrdreg s16  }
0xb6: {  	[dreg:$0x4] =	wrdreg s15  }
0xb7: {  	[dreg:$0x5] =	wrdreg $0x9  }
0xb8: {  	_ =	task.clear_ibuf [dreg:s8], $0x6FFFF;
	_ =	strace $0x90000046  }
0xb9: {  	s29 =	simm.s32 $0x9;
	_ =	strace $0x80000048  }
0xba: {  	_ =	swait.ge [sflag:s29], $0x1  }
0xbb: {  	[sflag:s29] =	ssyncadd.s32 $0xFFFFFFFF  }
0xbc: {  	_ =	strace $0x90000048  }
0xbd: {  	_ =	sfence  }
0xbe: {  	s30 =	sld [smem:$0x0];
	_ =	sdelay $0x2  }
0xbf: {  	s31 =	sshll.u32 s1, $0xD;
	s1 =	sshrl.u32 s1, $0x2  }
0xc0: {  	s3 =	sand.u32 $0x4000, s31;
	s1 =	sadd.s32 s1, s30  }
0xc1: {  	s0 =	sor.u32 s3, s0;
	s1 =	sshll.u32 s1, $0x11  }
0xc2: {  	s0 =	sor.u32 s1, s0  }
0xc3: {  	s0 =	sadd.s32 $0x8F2B, s0  }
0xc4: {  	[sflag:s0] =	ssyncadd.remote.s32 $0x1  }
0xc5: {  	_ =	sfence.sel $0xFFFF  }
0xc6: {  	[dreg:$0x0] =	wrdreg $0xFFFFFFFF;
	(pc) =	sbr.abs _section_cstart, $3  }
0xc7: {  	[dreg:$0x1] =	wrdreg $0xFFFFFFFF  }
0xc8: {  	_ =	task.clear_ibuf [dreg:s8], $0x2FFFF;
	_ =	strace $0x9FFFFFFF  }
0xc9: {  	(tm) =	ssettm $0x7FFFFFFF  }
tec
execute0_lowered:
.L_overlay_start_1:
0x0: {  	(tag) =	ssettag $0x1  }
0x1: {  	s1 =	stileid.u32  }
0x2: {  	p0 =	sgt.u32 s1, $0x7  }
.Ltmp0:
0x3: {  	s4 =	rddreg [dreg:$0x0];
	(pc) =	sbr.rel @p0 .LBB2_5-.Ltmp0, $4  }
0x4: {  	s6 =	rddreg [dreg:$0x1]  }
0x5: {  	s2 =	rddreg [dreg:$0x2];
	s3 =	simm.s32 $0x0  }
0x6: {  	[smem:$0x7FF] =	sst s3  }
0x7: {  	s0 =	rddreg [dreg:$0x3];
	_ =	strace $0x80000047  }
0x8: {  	s5 =	srdreg.scid;
	s10 =	sadd.s32 $0xA00, s4  }
0x9: {  	s9 =	sshll.u32 s1, $0x7;
	s11 =	sand.u32 $0x3, s1;
	s12 =	simm.s32 $0x1  }
0xa: {  	s15 =	simm.s32 $0x2200;
	s16 =	simm.s32 $0x2A00;
	s17 =	simm.s32 $0x2000  }
0xb: {  	s18 =	simm.s32 $0x2100;
	s19 =	simm.s32 $0x3280;
	s20 =	simm.s32 $0x3300  }
0xc: {  	s21 =	simm.s32 $0x0;
	s8 =	sand.u32 $0x1, s5;
	p1 =	sne.s32 s11, $0x0  }
0xd: {  	s5 =	sshll.u32 s8, $0x3;
	s7 =	sshll.u32 s8, $0xB;
	s26 =	sshll.u32 s8, $0xA  }
0xe: {  	s28 =	ssub.s32 $0x2, s8;
	s29 =	sshll.u32 s8, $0x10;
	s5 =	sadd.s32 s1, s5  }
0xf: {  	s7 =	sor.u32 s9, s7;
	s11 =	sadd.s32 s9, s26;
	s14 =	sshrl.u32 s28, $0x1  }
0x10: {  	p0 =	seq.s32 s5, $0x0;
	s7 =	sshrl.u32 s7, $0x3;
	s11 =	sshrl.u32 s11, $0x3  }
0x11: {  	s5 =	sshrl.u32 s5, $0x2;
	s30 =	ssub.s32 s28, s14;
	s14 =	simm.s32 $0x2  }
0x12: {  	p0 =	por !p1, !p0;
	s13 =	sadd.s32 s7, s4;
	s11 =	sadd.s32 s11, s4  }
0x13: {  	s4 =	simm.s32 $0x1;
	s6 =	sadd.s32 s6, s7;
	p0 =	por !p0, !p0  }
0x14: {  	s7 =	sadd.s32 $0x4C00, s13;
	s8 =	sadd.s32 $0x4E00, s11;
	s13 =	sor.u32 s9, s29  }
0x15: {  	v0 =	vlaneseq.u32;
	s9 =	sadd.s32 $0x4A00, s11;
	s11 =	smax.u32 s30, $0x1;
	s12 =	simm.s32 @!p0 $0x0  }
0x16: {  	vm0 =	vmmov $0xffff;
	v2 =	vshrl.u32 v0, $0x3;
	s31 =	sshrl.u32 s13, $0x3;
	s13 =	simm.s32 $0x400;
	s5 =	ssub.s32 s5, s12  }
0x17: {  	v1 =	vand.u32 $0x7, v0;
	v3 =	vor.u32 $0x8, v0;
	v2 =	vmul.u32 $0x8, v2;
	s10 =	sadd.s32 s10, s31;
	s12 =	simm.s32 $0x80;
	s5 =	sshll.u32 s5, $0xD  }
.LBB2_2:
0x18: {  	s23 =	simm.s32 $0x0  }
0x19: {  	[tilespmem:s23], [sflag:$0x2] =	stream.strided.gather [hbm4b:s10+s12], $0x2000, s13, s12, $0x38;
	[tilespmem:$0x3380] =	vst v63  }
0x1a: {  	_ =	swait.ge [sflag:s14], $0x2000  }
0x1b: {  	[sflag:s14] =	ssyncset.done $0x0  }
0x1c: {  	[sflag:s14] =	ssyncadd.s32 $0xFFFFE000  }
0x1d: {  	v4 =	vld [tilespmem:s23+$0x0];
	_ =	sdelay $0x3  }
0x1e: {  	v5 =	vimm.f32 $+Inf  }
0x1f: {  	v6 =	vimm.s32 $0x0;
	s22 =	simm.s32 $0x10;
	v7 =	vor.u32 s23, v0;
	s23 =	simm.s32 $0x10;
	vm1 =	vlt.f32 v4, v5  }
.LBB2_3:
0x20: {  	p0 =	sne.s32 s22, $0x1FF0;
	v5 =	vsel vm1, v4, v5;
	v4 =	vld [tilespmem:s23+$0x0];
	v6 =	vsel vm1, v7, v6;
	s24 =	smov.u32 s22;
	s22 =	sadd.s32 $0x10, s22  }
.Ltmp1:
0x21: {  	(pc) =	sbr.rel @p0 .LBB2_3-.Ltmp1, $2  }
0x22: {  	_ =	sdelay $0x2  }
0x23: {  	s23 =	sadd.s32 $0x10, s23;
	v7 =	vor.u32 s24, v0;
	vm1 =	vlt.f32 v4, v5  }
0x24: {  	v5 =	vsel vm1, v4, v5  }
0x25: {  	v4 =	vsel vm1, v7, v6;
	(v2sf) =	vpush v5, $0x0  }
0x26: {  	(v2sf) =	vpush v4, $0x0  }
0x27: {  	(v2sf) =	vpush v5, $0x1;
	_ =	sdelay $0x2  }
0x28: {  	(v2sf) =	vpush v4, $0x1;
	_ =	sdelay $0x4  }
0x29: {  	(v2sf) =	vpush v5, $0x2  }
0x2a: {  	(v2sf) =	vpush v4, $0x2;
	_ =	sdelay $0x3  }
0x2b: {  	s23 =	spop (v2sf)  }
0x2c: {  	s22 =	spop (v2sf);
	(v2sf) =	vpush v5, $0x3  }
0x2d: {  	s24 =	spop (v2sf);
	(v2sf) =	vpush v4, $0x3;
	_ =	sdelay $0x2  }
0x2e: {  	s25 =	spop (v2sf);
	p0 =	seq.f32 s24, s23  }
0x2f: {  	p1 =	slt.s32 s25, s22  }
0x30: {  	p2 =	slt.f32 s24, s23;
	(v2sf) =	vpush v5, $0x4;
	p0 =	por !p0, !p1  }
0x31: {  	(v2sf) =	vpush v4, $0x4;
	p0 =	por !p0, !p0  }
0x32: {  	p0 =	por p2, p0  }
0x33: {  	s23 =	smov.u32 @p0 s24;
	s24 =	spop (v2sf)  }
0x34: {  	s22 =	smov.u32 @p0 s25;
	s25 =	spop (v2sf);
	p4 =	seq.f32 s24, s23  }
0x35: {  	p5 =	slt.s32 s25, s22  }
0x36: {  	(v2sf) =	vpush v5, $0x5;
	p6 =	slt.f32 s24, s23;
	p0 =	por !p4, !p5  }
0x37: {  	p0 =	por !p0, !p0  }
0x38: {  	p0 =	por p6, p0  }
0x39: {  	(v2sf) =	vpush v4, $0x5;
	s23 =	smov.u32 @p0 s24;
	s24 =	spop (v2sf)  }
0x3a: {  	s22 =	smov.u32 @p0 s25;
	s25 =	spop (v2sf);
	p1 =	seq.f32 s24, s23  }
0x3b: {  	p2 =	slt.s32 s25, s22  }
0x3c: {  	p3 =	slt.f32 s24, s23;
	p0 =	por !p1, !p2  }
0x3d: {  	p0 =	por !p0, !p0  }
0x3e: {  	(v2sf) =	vpush v5, $0x6;
	p0 =	por p3, p0  }
0x3f: {  	(v2sf) =	vpush v4, $0x6;
	s23 =	smov.u32 @p0 s24;
	s24 =	spop (v2sf)  }
0x40: {  	s22 =	smov.u32 @p0 s25;
	s25 =	spop (v2sf);
	p4 =	seq.f32 s24, s23  }
0x41: {  	p5 =	slt.s32 s25, s22  }
0x42: {  	p6 =	slt.f32 s24, s23;
	p0 =	por !p4, !p5  }
0x43: {  	p0 =	por !p0, !p0  }
0x44: {  	(v2sf) =	vpush v5, $0x7;
	p0 =	por p6, p0  }
0x45: {  	s23 =	smov.u32 @p0 s24;
	s24 =	spop (v2sf);
	(v2sf) =	vpush v4, $0x7;
	_ =	sdelay $0x2  }
0x46: {  	s22 =	smov.u32 @p0 s25;
	s25 =	spop (v2sf);
	p1 =	seq.f32 s24, s23  }
0x47: {  	p2 =	slt.s32 s25, s22  }
0x48: {  	p3 =	slt.f32 s24, s23;
	(v2sf) =	vpush v5, $0x8;
	p0 =	por !p1, !p2  }
0x49: {  	p0 =	por !p0, !p0  }
0x4a: {  	p0 =	por p3, p0  }
0x4b: {  	s23 =	smov.u32 @p0 s24;
	s24 =	spop (v2sf);
	(v2sf) =	vpush v4, $0x8  }
0x4c: {  	s22 =	smov.u32 @p0 s25;
	s25 =	spop (v2sf);
	p4 =	seq.f32 s24, s23  }
0x4d: {  	p5 =	slt.s32 s25, s22  }
0x4e: {  	p6 =	slt.f32 s24, s23;
	p0 =	por !p4, !p5  }
0x4f: {  	p0 =	por !p0, !p0  }
0x50: {  	(v2sf) =	vpush v5, $0x9;
	p0 =	por p6, p0  }
0x51: {  	s23 =	smov.u32 @p0 s24;
	s24 =	spop (v2sf);
	(v2sf) =	vpush v4, $0x9  }
0x52: {  	s22 =	smov.u32 @p0 s25;
	p1 =	seq.f32 s24, s23;
	s25 =	spop (v2sf)  }
0x53: {  	p2 =	slt.s32 s25, s22  }
0x54: {  	p3 =	slt.f32 s24, s23;
	p0 =	por !p1, !p2  }
0x55: {  	p0 =	por !p0, !p0  }
0x56: {  	(v2sf) =	vpush v5, $0xA;
	p0 =	por p3, p0  }
0x57: {  	s23 =	smov.u32 @p0 s24;
	s24 =	spop (v2sf);
	(v2sf) =	vpush v4, $0xA;
	_ =	sdelay $0x2  }
0x58: {  	s22 =	smov.u32 @p0 s25;
	s25 =	spop (v2sf);
	p4 =	seq.f32 s24, s23  }
0x59: {  	p5 =	slt.s32 s25, s22  }
0x5a: {  	p6 =	slt.f32 s24, s23;
	(v2sf) =	vpush v5, $0xB;
	p0 =	por !p4, !p5  }
0x5b: {  	p0 =	por !p0, !p0  }
0x5c: {  	p0 =	por p6, p0  }
0x5d: {  	s23 =	smov.u32 @p0 s24;
	s24 =	spop (v2sf);
	(v2sf) =	vpush v4, $0xB  }
0x5e: {  	s22 =	smov.u32 @p0 s25;
	s25 =	spop (v2sf);
	p1 =	seq.f32 s24, s23  }
0x5f: {  	p2 =	slt.s32 s25, s22  }
0x60: {  	p3 =	slt.f32 s24, s23;
	p0 =	por !p1, !p2  }
0x61: {  	p0 =	por !p0, !p0  }
0x62: {  	(v2sf) =	vpush v5, $0xC;
	p0 =	por p3, p0  }
0x63: {  	s23 =	smov.u32 @p0 s24;
	s24 =	spop (v2sf);
	(v2sf) =	vpush v4, $0xC  }
0x64: {  	s22 =	smov.u32 @p0 s25;
	p4 =	seq.f32 s24, s23;
	s25 =	spop (v2sf)  }
0x65: {  	p5 =	slt.s32 s25, s22  }
0x66: {  	p6 =	slt.f32 s24, s23;
	p0 =	por !p4, !p5  }
0x67: {  	p0 =	por !p0, !p0  }
0x68: {  	(v2sf) =	vpush v5, $0xD;
	p0 =	por p6, p0  }
0x69: {  	s23 =	smov.u32 @p0 s24;
	s24 =	spop (v2sf);
	(v2sf) =	vpush v4, $0xD;
	_ =	sdelay $0x2  }
0x6a: {  	s22 =	smov.u32 @p0 s25;
	s25 =	spop (v2sf);
	p1 =	seq.f32 s24, s23  }
0x6b: {  	p2 =	slt.s32 s25, s22  }
0x6c: {  	p3 =	slt.f32 s24, s23;
	(v2sf) =	vpush v5, $0xE;
	p0 =	por !p1, !p2  }
0x6d: {  	(v2sf) =	vpush v4, $0xE;
	p0 =	por !p0, !p0  }
0x6e: {  	p0 =	por p3, p0  }
0x6f: {  	s23 =	smov.u32 @p0 s24;
	s24 =	spop (v2sf)  }
0x70: {  	s22 =	smov.u32 @p0 s25;
	s25 =	spop (v2sf);
	p4 =	seq.f32 s24, s23  }
0x71: {  	(v2sf) =	vpush v5, $0xF;
	p5 =	slt.s32 s25, s22  }
0x72: {  	p6 =	slt.f32 s24, s23;
	(v2sf) =	vpush v4, $0xF;
	p0 =	por !p4, !p5  }
0x73: {  	p0 =	por !p0, !p0  }
0x74: {  	p0 =	por p6, p0  }
0x75: {  	s23 =	smov.u32 @p0 s24;
	s24 =	spop (v2sf)  }
0x76: {  	s22 =	smov.u32 @p0 s25;
	p1 =	seq.f32 s24, s23;
	s25 =	spop (v2sf)  }
0x77: {  	p2 =	slt.s32 s25, s22  }
0x78: {  	p3 =	slt.f32 s24, s23;
	p0 =	por !p1, !p2  }
0x79: {  	p0 =	por !p0, !p0  }
0x7a: {  	p0 =	por p3, p0  }
0x7b: {  	s23 =	smov.u32 @p0 s24;
	s24 =	spop (v2sf)  }
0x7c: {  	s22 =	smov.u32 @p0 s25;
	s25 =	spop (v2sf);
	p4 =	seq.f32 s24, s23  }
0x7d: {  	p5 =	slt.s32 s25, s22  }
0x7e: {  	p6 =	slt.f32 s24, s23;
	p0 =	por !p4, !p5  }
0x7f: {  	p0 =	por !p0, !p0  }
0x80: {  	s28 =	spop (v2sf);
	p0 =	por p6, p0  }
0x81: {  	s23 =	smov.u32 @p0 s24;
	s22 =	smov.u32 @p0 s25;
	s25 =	spop (v2sf)  }
0x82: {  	p0 =	seq.f32 s28, s23;
	p1 =	slt.s32 s25, s22;
	s26 =	smov.u32 s22  }
0x83: {  	p2 =	slt.f32 s28, s23;
	s26 =	smov.u32 @p1 s25  }
0x84: {  	s22 =	smov.u32 @p0 s26  }
0x85: {  	s22 =	smov.u32 @p2 s25  }
0x86: {  	s29 =	sadd.s32 s5, s22  }
0x87: {  	v4 =	vmov s29  }
0x88: {  	v5 =	vshll.u32 v4, $0x1  }
0x89: {  	v56 =	vand.u32 $0x7, v4;
	v5 =	vand.u32 $0xFFFFFFF0, v5  }
0x8a: {  	v5 =	vor.u32 v56, v5  }
0x8b: {  	v6 =	vperm.xlane v5, v1;
	_ =	sdelay $0x1  }
0x8c: {  	v5 =	vperm.xlane v5, v3;
	v6 =	vadd.s32 v2, v6;
	_ =	sdelay $0x1  }
0x8d: {  	v5 =	vadd.s32 v2, v5;
	_ =	sdelay $0x1  }
0x8e: {  	[tilespmem:$0x3200] =	vst v4  }
0x8f: {  	[tilespmem:s15], [sflag:$0x1] =	stream.indirect_vreg.gather [hbm4b:s2+s3], $0x80, v6, vm0, $0xb8;
	[tilespmem:$0x3380] =	vst v63  }
0x90: {  	_ = 	snop  }
0x91: {  	[tilespmem:s16], [sflag:$0x1] =	stream.indirect_vreg.gather [hbm4b:s2+s3], $0x80, v5, vm0, $0xb8;
	[tilespmem:$0x3380] =	vst v63  }
0x92: {  	_ =	swait.ge [sflag:s4], $0x1000  }
0x93: {  	[sflag:s4] =	ssyncset.done $0x0  }
0x94: {  	[sflag:s4] =	ssyncadd.s32 $0xFFFFF000  }
0x95: {  	[tilespmem:s17], [sflag:$0x2] =	stream.strided.gather [hbm4b:s6+s12], $0x100, s13, s12, $0x38;
	[tilespmem:$0x3380] =	vst v63  }
0x96: {  	_ =	swait.ge [sflag:s14], $0x100  }
0x97: {  	[sflag:s14] =	ssyncset.done $0x0  }
0x98: {  	[sflag:s14] =	ssyncadd.s32 $0xFFFFFF00  }
0x99: {  	v4 =	vld [tilespmem:$0x2200]  }
0x9a: {  	v5 =	vld [tilespmem:$0x2000]  }
0x9b: {  	v57 =	vld [tilespmem:$0x2210]  }
0x9c: {  	v58 =	vld [tilespmem:$0x2010]  }
0x9d: {  	v8 =	vld [tilespmem:$0x2220]  }
0x9e: {  	v9 =	vld [tilespmem:$0x2020]  }
0x9f: {  	v10 =	vld [tilespmem:$0x2230]  }
0xa0: {  	v11 =	vld [tilespmem:$0x2030]  }
0xa1: {  	v12 =	vld [tilespmem:$0x2240]  }
0xa2: {  	v13 =	vld [tilespmem:$0x2040]  }
0xa3: {  	v14 =	vld [tilespmem:$0x2250]  }
0xa4: {  	v15 =	vld [tilespmem:$0x2050]  }
0xa5: {  	v16 =	vld [tilespmem:$0x2260]  }
0xa6: {  	v19 =	vld [tilespmem:$0x2060]  }
0xa7: {  	v20 =	vld [tilespmem:$0x2270]  }
0xa8: {  	v21 =	vld [tilespmem:$0x2070];
	v4 =	vsub.f32 v4, v5;
	v6 =	vsub.f32 v57, v58  }
0xa9: {  	v22 =	vld [tilespmem:$0x2600]  }
0xaa: {  	v23 =	vld [tilespmem:$0x2080];
	v8 =	vsub.f32 v8, v9;
	v17 =	vmul.f32 v4, v4;
	v18 =	vmul.f32 v6, v6  }
0xab: {  	v24 =	vld [tilespmem:$0x2610]  }
0xac: {  	v25 =	vld [tilespmem:$0x2090];
	v10 =	vsub.f32 v10, v11;
	v59 =	vmul.f32 v8, v8;
	v17 =	vadd.f32 v18, v17  }
0xad: {  	v26 =	vld [tilespmem:$0x2620];
	v12 =	vsub.f32 v12, v13  }
0xae: {  	v27 =	vld [tilespmem:$0x20A0];
	v14 =	vsub.f32 v14, v15;
	v60 =	vmul.f32 v10, v10;
	v17 =	vadd.f32 v59, v17  }
0xaf: {  	v32 =	vld [tilespmem:$0x2640];
	v16 =	vsub.f32 v16, v19;
	v20 =	vsub.f32 v20, v21  }
0xb0: {  	v35 =	vld [tilespmem:$0x20C0];
	v34 =	vsub.f32 v22, v23;
	v61 =	vmul.f32 v12, v12;
	v17 =	vadd.f32 v60, v17  }
0xb1: {  	v38 =	vld [tilespmem:$0x2650];
	v40 =	vsub.f32 v24, v25;
	v4 =	vadd.f32 v4, v5  }
0xb2: {  	v41 =	vld [tilespmem:$0x20D0];
	v62 =	vmul.f32 v14, v14;
	v6 =	vadd.f32 v6, v58;
	v17 =	vadd.f32 v61, v17  }
0xb3: {  	v28 =	vld [tilespmem:$0x20B0];
	v46 =	vsub.f32 v26, v27;
	v31 =	vadd.f32 v8, v9;
	[tilespmem:$0x2100] =	vst v4  }
0xb4: {  	v44 =	vld [tilespmem:$0x2660];
	v63 =	vmul.f32 v16, v16;
	v36 =	vadd.f32 v10, v11;
	[tilespmem:$0x2110] =	vst v6;
	v17 =	vadd.f32 v62, v17  }
0xb5: {  	v47 =	vld [tilespmem:$0x20E0];
	v54 =	vsub.f32 v32, v35;
	v37 =	vadd.f32 v12, v13;
	[tilespmem:$0x2120] =	vst v31  }
0xb6: {  	v50 =	vld [tilespmem:$0x2670];
	v33 =	vmul.f32 v20, v20;
	v42 =	vadd.f32 v14, v15;
	[tilespmem:$0x2130] =	vst v36;
	v4 =	vadd.f32 v63, v17  }
0xb7: {  	v56 =	vsub.f32 v38, v41;
	v5 =	vld [tilespmem:$0x2630];
	v43 =	vadd.f32 v16, v19;
	[tilespmem:$0x2140] =	vst v37  }
0xb8: {  	v52 =	vld [tilespmem:$0x20F0];
	v39 =	vmul.f32 v34, v34;
	v48 =	vadd.f32 v20, v21;
	[tilespmem:$0x2150] =	vst v42;
	v4 =	vadd.f32 v33, v4  }
0xb9: {  	v49 =	vadd.f32 v34, v23;
	v9 =	vadd.f32 v40, v25;
	[tilespmem:$0x2160] =	vst v43  }
0xba: {  	v45 =	vmul.f32 v40, v40;
	v53 =	vadd.f32 v46, v27;
	[tilespmem:$0x2170] =	vst v48;
	v4 =	vadd.f32 v39, v4  }
0xbb: {  	v57 =	vadd.f32 v54, v35;
	v58 =	vsub.f32 v44, v47;
	[tilespmem:$0x2180] =	vst v49  }
0xbc: {  	v51 =	vmul.f32 v46, v46;
	[tilespmem:$0x2190] =	vst v9;
	v5 =	vsub.f32 v5, v28;
	v4 =	vadd.f32 v45, v4  }
0xbd: {  	[tilespmem:$0x21A0] =	vst v53;
	v59 =	vadd.f32 v56, v41;
	v60 =	vsub.f32 v50, v52  }
0xbe: {  	[tilespmem:$0x21C0] =	vst v57;
	v55 =	vadd.f32 v5, v28;
	v5 =	vmul.f32 v5, v5;
	v4 =	vadd.f32 v51, v4  }
0xbf: {  	[tilespmem:$0x21D0] =	vst v59;
	v61 =	vadd.f32 v58, v47  }
0xc0: {  	[tilespmem:$0x21B0] =	vst v55;
	v62 =	vadd.f32 v60, v52;
	v4 =	vadd.f32 v5, v4;
	v5 =	vmul.f32 v54, v54  }
0xc1: {  	[tilespmem:$0x21E0] =	vst v61  }
0xc2: {  	[tilespmem:$0x21F0] =	vst v62;
	v4 =	vadd.f32 v5, v4;
	v5 =	vmul.f32 v56, v56  }
0xc3: {  	[hbm4b:s7+s12] =	stream.strided.scatter [tilespmem:s18], [sflag:$0x2], $0x100, s13, s12, $0x38;
	[tilespmem:$0x3380] =	vst v63  }
0xc4: {  	_ =	swait.ge [sflag:s14], $0x100;
	v4 =	vadd.f32 v5, v4;
	v5 =	vmul.f32 v58, v58  }
0xc5: {  	[sflag:s14] =	ssyncset.done $0x0  }
0xc6: {  	v63 =	vmov s22;
	[sflag:s14] =	ssyncadd.s32 $0xFFFFFF00;
	v4 =	vadd.f32 v5, v4;
	v5 =	vmul.f32 v60, v60  }
0xc7: {  	[tilespmem:$0x3280] =	vst v63  }
0xc8: {  	[hbm4b:s8+s3] =	stream.linear.scatter [tilespmem:s19], [sflag:$0x2], $0x80, $0x38;
	v4 =	vadd.f32 v5, v4;
	[tilespmem:$0x3380] =	vst v63  }
0xc9: {  	_ =	swait.ge [sflag:s14], $0x80  }
0xca: {  	(v2sf) =	vpush v4, $0x0  }
0xcb: {  	(v2sf) =	vpush v4, $0x1;
	_ =	sdelay $0x1  }
0xcc: {  	(v2sf) =	vpush v4, $0x2;
	_ =	sdelay $0x1  }
0xcd: {  	(v2sf) =	vpush v4, $0x3;
	_ =	sdelay $0x1  }
0xce: {  	(v2sf) =	vpush v4, $0x4;
	_ =	sdelay $0x1  }
0xcf: {  	(v2sf) =	vpush v4, $0x5;
	_ =	sdelay $0x1  }
0xd0: {  	(v2sf) =	vpush v4, $0x6;
	_ =	sdelay $0x1  }
0xd1: {  	(v2sf) =	vpush v4, $0x7;
	_ =	sdelay $0x1  }
0xd2: {  	s30 =	spop (v2sf);
	(v2sf) =	vpush v4, $0x8  }
0xd3: {  	s31 =	spop (v2sf)  }
0xd4: {  	(v2sf) =	vpush v4, $0x9;
	s22 =	sadd.f32 s31, s30  }
0xd5: {  	s24 =	spop (v2sf)  }
0xd6: {  	(v2sf) =	vpush v4, $0xA;
	s22 =	sadd.f32 s22, s24  }
0xd7: {  	s25 =	spop (v2sf)  }
0xd8: {  	(v2sf) =	vpush v4, $0xB;
	s22 =	sadd.f32 s22, s25  }
0xd9: {  	s26 =	spop (v2sf)  }
0xda: {  	(v2sf) =	vpush v4, $0xC;
	s22 =	sadd.f32 s22, s26  }
0xdb: {  	s28 =	spop (v2sf)  }
0xdc: {  	(v2sf) =	vpush v4, $0xD;
	s22 =	sadd.f32 s22, s28  }
0xdd: {  	s29 =	spop (v2sf)  }
0xde: {  	(v2sf) =	vpush v4, $0xE;
	s22 =	sadd.f32 s22, s29  }
0xdf: {  	s30 =	spop (v2sf)  }
0xe0: {  	(v2sf) =	vpush v4, $0xF;
	s22 =	sadd.f32 s22, s30  }
0xe1: {  	s31 =	spop (v2sf)  }
0xe2: {  	s22 =	sadd.f32 s22, s31  }
0xe3: {  	s24 =	spop (v2sf)  }
0xe4: {  	s22 =	sadd.f32 s22, s24  }
0xe5: {  	s25 =	spop (v2sf)  }
0xe6: {  	s22 =	sadd.f32 s22, s25  }
0xe7: {  	s26 =	spop (v2sf)  }
0xe8: {  	s22 =	sadd.f32 s22, s26  }
0xe9: {  	s28 =	spop (v2sf)  }
0xea: {  	s22 =	sadd.f32 s22, s28  }
0xeb: {  	s29 =	spop (v2sf)  }
0xec: {  	s22 =	sadd.f32 s22, s29  }
0xed: {  	s30 =	spop (v2sf)  }
0xee: {  	s22 =	sadd.f32 s22, s30  }
0xef: {  	s31 =	spop (v2sf)  }
0xf0: {  	s22 =	sadd.f32 s22, s31  }
0xf1: {  	s21 =	sadd.s32 $0x1, s21;
	[sflag:s14] =	ssyncset.done $0x0  }
0xf2: {  	p0 =	sne.s32 s21, s11;
	[sflag:s14] =	ssyncadd.s32 $0xFFFFFF80;
	v4 =	vmov s22  }
.Ltmp2:
0xf3: {  	[tilespmem:$0x3300] =	vst v4;
	(pc) =	sbr.rel @p0 .LBB2_2-.Ltmp2, $4  }
0xf4: {  	[hbm4b:s9+s3] =	stream.linear.scatter [tilespmem:s20], [sflag:$0x2], $0x80, $0x38;
	[tilespmem:$0x3380] =	vst v63  }
0xf5: {  	_ =	swait.ge [sflag:s14], $0x80  }
0xf6: {  	[sflag:s14] =	ssyncset.done $0x0  }
0xf7: {  	[sflag:s14] =	ssyncadd.s32 $0xFFFFFF80  }
.LBB2_5:
0xf8: {  	_ =	sfence.sel $0x180000  }
0xf9: {  	[bflag:$0x0] =	sbarrier.arrive $0xFFFF  }
0xfa: {  	p0 =	sne.s32 s1, $0x0;
	_ =	strace $0x90000047  }
0xfb: {  	s0 =	sadd.s32 @!p0 $0x100000, s0;
	[bflag:$0x2] =	sbarrier.arrive $0xFFFF  }
0xfc: {  	[sflag:s0] =	ssyncadd.tile.s32 @!p0 $0x1;
	_ =	shalt  }
.Lfunc_end2:
_tile_overlayer_lowered:
.L_overlay_start_2:
0xfd: {  	(tag) =	ssettag $0x2  }
0xfe: {  	s0 =	rddreg [dreg:$0x0];
	s2 =	stileid.u32  }
0xff: {  	s1 =	rddreg [dreg:$0x1];
	p0 =	sne.s32 s2, $0x0  }
0x100: {  	s3 =	rddreg [dreg:$0x2];
	[bflag:$0x3] =	sbarrier.arrive $0xFFFF;
	s2 =	simm.s32 @!p0 $0x1C02  }
0x101: {  	[timem:s3], [sflag:s2] =	dma.local @!p0 [hbm:s0], s1  }
0x102: {  	s0 =	simm.s32 @!p0 $0x2  }
0x103: {  	_ =	swait.ge @!p0 [sflag:s0], s1  }
0x104: {  	s1 =	ssub.s32 @!p0 $0x0, s1;
	[sflag:s0] =	ssyncset.done @!p0 $0x0  }
0x105: {  	[sflag:s0] =	ssyncadd.s32 @!p0 s1  }
0x106: {  	[bflag:$0x3] =	sbarrier.arrive $0xFFFF  }
0x107: {  	_ =	shalt  }

</sc_bundles>
